<compile_context>
chip_gen: v7x
topology: tpu7x:2x2x1
jax: 0.10.2.dev20260603
libtpu: 0.0.44.dev20260713+nightly
codegen_flags: <defaults>
</compile_context>

<pallas_src>
import functools

import numpy as np
import jax
import jax.numpy as jnp
from jax import lax
from jax.experimental import pallas as pl
from jax.experimental.pallas import tpu as pltpu
from jax.experimental.pallas import tpu_sc as plsc

_B = 1024
_D = 96
_S = 16
_NUM_T = 50
_CAN = 64
_NPIX = _CAN * _CAN
_NC = 2
_NS = 16
_NW = _NC * _NS
_SPW = _B // _NW

_SCALE = 1e-4
_LP_CONST = np.float32(_D * np.float32(-np.log(_SCALE) - 0.5 * np.log(2.0 * np.pi)))
_ENT_CONST = np.float32(_D * np.float32(0.5 * np.log(2.0 * np.pi * np.e * _SCALE ** 2)))
_MAGIC = np.float32(2.0 ** 23)
_INV49 = np.float32(1.0 / (_NUM_T - 1))


def _paint_body(x_hbm, sketch_hbm, lp_hbm, ent_hbm, sample_hbm,
                xv, canvas, outv, lpent_v, smp_sem):
    wid = lax.axis_index("s") * _NC + lax.axis_index("c")
    base = wid * _SPW

    lanes = lax.iota(jnp.int32, 16)
    wvec = jnp.full((16,), -0.07, jnp.float32)
    fill03 = jnp.full((16,), 0.3, jnp.float32)
    lp_fill = jnp.full((16,), _LP_CONST, jnp.float32)
    ent_fill = jnp.full((16,), _ENT_CONST, jnp.float32)

    lpent_v[pl.ds(0, 16)] = lp_fill
    lpent_v[pl.ds(16, 16)] = lp_fill
    lpent_v[pl.ds(32, 16)] = ent_fill
    lpent_v[pl.ds(48, 16)] = ent_fill
    pltpu.sync_copy(lpent_v.at[pl.ds(0, _SPW)], lp_hbm.at[pl.ds(base, _SPW)])
    pltpu.sync_copy(lpent_v.at[pl.ds(32, _SPW)], ent_hbm.at[pl.ds(base, _SPW)])

    pltpu.sync_copy(x_hbm.at[pl.ds(base * _D, _SPW * _D)], xv)

    def sig_body(k, carry):
        off = k * 16
        v = xv[pl.ds(off, 16)]
        e = jnp.exp(-jnp.abs(v))
        r = 1.0 / (1.0 + e)
        xv[pl.ds(off, 16)] = jnp.where(v >= 0.0, r, e / (1.0 + e))
        return carry

    lax.fori_loop(0, _SPW * _D // 16, sig_body, ())
    pltpu.async_copy(xv, sample_hbm.at[pl.ds(base * _D, _SPW * _D)], smp_sem)

    def init_body(k, carry):
        for u in range(8):
            canvas[pl.ds(k * 128 + u * 16, 16)] = fill03
        return carry

    lax.fori_loop(0, _NPIX // 128, init_body, ())

    def b_body(b, carry):
        boff = b * _D
        col_idx = lanes * 6 + boff
        p = [plsc.load_gather(xv, [col_idx + c]) * 64.0 for c in range(6)]
        p0x, p0y, p1x, p1y, p2x, p2y = p

        def t_body(i, tc):
            tt = i.astype(jnp.float32) * _INV49
            omt = 1.0 - tt
            c0 = omt * omt
            c1 = (2.0 * omt) * tt
            c2 = tt * tt
            bx = c0 * p0x + c1 * p1x + c2 * p2x
            by = c0 * p0y + c1 * p1y + c2 * p2y
            xi = ((bx + _MAGIC) - _MAGIC).astype(jnp.int32)
            yi = ((by + _MAGIC) - _MAGIC).astype(jnp.int32)
            xm = jnp.maximum(xi - 1, 0) * 64
            xz = jnp.minimum(xi, 63) * 64
            xp = jnp.minimum(xi + 1, 63) * 64
            ym = jnp.maximum(yi - 1, 0)
            yz = jnp.minimum(yi, 63)
            yp = jnp.minimum(yi + 1, 63)
            for xs in (xm, xz, xp):
                for ys in (ym, yz, yp):
                    plsc.addupdate_scatter(canvas, [xs + ys], wvec)
            return tc

        lax.fori_loop(0, _NUM_T, t_body, ())

        def d_body(k, dc):
            for u in range(8):
                off = k * 128 + u * 16
                v = jnp.maximum(canvas[pl.ds(off, 16)], 0.0)
                outv[k, pl.ds(u * 16, 16)] = v
                canvas[pl.ds(off, 16)] = fill03
            return dc

        lax.fori_loop(0, _NPIX // 128, d_body, ())
        pltpu.sync_copy(outv, sketch_hbm.at[base + b])
        return carry

    lax.fori_loop(0, _SPW, b_body, ())

    pltpu.make_async_copy(
        xv, sample_hbm.at[pl.ds(base * _D, _SPW * _D)], smp_sem).wait()


def _build_paint(interpret=False):
    return pl.kernel(
        _paint_body,
        out_type=(
            jax.ShapeDtypeStruct((_B, 32, 128), jnp.float32),
            jax.ShapeDtypeStruct((_B,), jnp.float32),
            jax.ShapeDtypeStruct((_B,), jnp.float32),
            jax.ShapeDtypeStruct((_B * _D,), jnp.float32),
        ),
        mesh=plsc.VectorSubcoreMesh(core_axis_name="c", subcore_axis_name="s"),
        scratch_types=[
            pltpu.VMEM((_SPW * _D,), jnp.float32),
            pltpu.VMEM((_NPIX,), jnp.float32),
            pltpu.VMEM((32, 128), jnp.float32),
            pltpu.VMEM((64,), jnp.float32),
            pltpu.SemaphoreType.DMA,
        ],
        compiler_params=pltpu.CompilerParams(needs_layout_passes=False),
        interpret=interpret,
    )


@functools.lru_cache(maxsize=None)
def _get_paint():
    return _build_paint()


def kernel(x, log_std):
    del log_std
    sk, lp, ent, sm = _get_paint()(x.reshape(-1))
    return (sk.reshape(_B, _CAN, _CAN), lp, ent, sm.reshape(_B, _D))

# --- scband reference (transcript-rebuilt; emitter-appended) ---
"""Pipeline reference for scband-bezier-reinforce-wrapper-29858612642042 (READ-ONLY COPY).

The authoritative reference and input builder live on the scoring server;
editing this copy changes nothing except your own understanding.
"""

import jax, jax.numpy as jnp
import numpy as np

CANVAS = 64
NUM_T = 50
BRUSH = 1

def setup_inputs(seed: int = 0) -> dict:
    key = jax.random.key(seed)
    k1, k2 = jax.random.split(key)
    x = jax.random.normal(k1, (1024, 96), dtype=jnp.float32)
    log_std = jnp.ones((1,), dtype=jnp.float32) * np.log(0.1)
    return {"x": x, "log_std": log_std}

def paint_multiple_splines(sample, canvas_size=CANVAS):
    B = sample.shape[0]
    params = sample.reshape(B, -1, 6) * canvas_size
    S = params.shape[1]
    P0 = params[..., 0:2][:, :, None, :]
    P1 = params[..., 2:4][:, :, None, :]
    P2 = params[..., 4:6][:, :, None, :]
    W = jnp.full((B, S, 1), -0.07, dtype=sample.dtype)
    t = jnp.linspace(0.0, 1.0, NUM_T, dtype=sample.dtype).reshape(1, 1, NUM_T, 1)
    spline_points = (1 - t) ** 2 * P0 + 2 * (1 - t) * t * P1 + t ** 2 * P2
    coords = jnp.round(spline_points).astype(jnp.int32)
    r = jnp.arange(-BRUSH, BRUSH + 1)
    dx, dy = jnp.meshgrid(r, r, indexing='ij')
    dx = dx.flatten(); dy = dy.flatten()
    base_x = coords[..., 0]
    base_y = coords[..., 1]
    x_indices = jnp.clip(base_x[..., None] + dx, 0, canvas_size - 1)
    y_indices = jnp.clip(base_y[..., None] + dy, 0, canvas_size - 1)
    flat_x = x_indices.reshape(B, -1)
    flat_y = y_indices.reshape(B, -1)
    flat_indices = flat_x * canvas_size + flat_y
    num_offsets = dx.shape[0]
    flat_weights = jnp.broadcast_to(W[:, :, :, None], (B, S, NUM_T, num_offsets)).reshape(B, -1)
    canvas_flat = jnp.zeros((B, canvas_size * canvas_size), dtype=sample.dtype)
    bidx = jnp.arange(B)[:, None]
    canvas_flat = canvas_flat.at[bidx, flat_indices].add(flat_weights)
    canvas = canvas_flat.reshape(B, canvas_size, canvas_size)
    canvas = jnp.clip(canvas + 0.3, 0.0, 1.0)
    return canvas

def reference(x, log_std):
    # agent is identity -> mu = x
    mu = x
    std = jnp.exp(log_std)  # computed in torch forward but unused (scale is fixed 1e-4)
    scale = 1e-4
    D = mu.shape[-1]
    # Independent(Normal(mu, scale), 1): entropy summed over last dim
    ent_per_dim = 0.5 * jnp.log(2.0 * jnp.pi * jnp.e * scale ** 2)
    entropy = jnp.full((mu.shape[0],), D * ent_per_dim, dtype=mu.dtype)
    # eval mode: raw_sample = mu
    raw_sample = mu
    sample = jax.nn.sigmoid(raw_sample)
    lp_per_dim = -((raw_sample - mu) ** 2) / (2.0 * scale ** 2) - jnp.log(scale) - 0.5 * jnp.log(2.0 * jnp.pi)
    log_prob = jnp.sum(lp_per_dim, axis=-1)
    sketch = paint_multiple_splines(sample, CANVAS)
    return (sketch, log_prob, entropy, sample)

if __name__ == "__main__":
    import jax
    _d = setup_inputs()
    print(jax.jit(kernel)(*tuple(_d.values())))

</pallas_src>

<mosaic_0001>
#map = affine_map<(d0, d1) -> (0)>
#map1 = affine_map<(d0, d1) -> (0, 0, 0)>
module attributes {stable_mosaic.version = 14 : i64} {
  func.func @_paint_body(%arg0: i32, %arg1: i32, %arg2: memref<98304xf32, #tpu.memory_space<hbm>>, %arg3: memref<1024x32x128xf32, #tpu.memory_space<hbm>>, %arg4: memref<1024xf32, #tpu.memory_space<hbm>>, %arg5: memref<1024xf32, #tpu.memory_space<hbm>>, %arg6: memref<98304xf32, #tpu.memory_space<hbm>>, %arg7: memref<3072xf32, #tpu.memory_space<vmem>>, %arg8: memref<4096xf32, #tpu.memory_space<vmem>>, %arg9: memref<32x128xf32, #tpu.memory_space<vmem>>, %arg10: memref<64xf32, #tpu.memory_space<vmem>>, %arg11: memref<!tpu.dma_semaphore, #tpu.memory_space<semaphore_mem>>) attributes {dimension_semantics = [#tpu.dimension_semantics<core_parallel>, #tpu.dimension_semantics<subcore_parallel>], iteration_bounds = array<i64: 2, 16>, scalar_prefetch = 0 : i64, scratch_operands = 5 : i64, tpu.core_type = #tpu.core_type<sc_vector_subcore>, window_params = [{transform_indices = #map}, {transform_indices = #map1}, {transform_indices = #map}, {transform_indices = #map}, {transform_indices = #map}]} {
    %mul3A = arith.constant 2 : i32
    %mul3A_0 = arith.muli %arg1, %mul3A : i32
    %add3A = arith.addi %mul3A_0, %arg0 : i32
    %mul3A_1 = arith.constant 32 : i32
    %mul3A_2 = arith.muli %add3A, %mul3A_1 : i32
    %iota3A = tpu.iota {dimensions = array<i32: 0>} : vector<16xi32>
    %broadcast_in_dim3A = arith.constant -7.000000e-02 : f32
    %broadcast_in_dim3A_3 = vector.broadcast %broadcast_in_dim3A : f32 to vector<16xf32>
    %broadcast_in_dim3A_4 = arith.constant 3.000000e-01 : f32
    %broadcast_in_dim3A_5 = vector.broadcast %broadcast_in_dim3A_4 : f32 to vector<16xf32>
    %broadcast_in_dim3A_6 = arith.constant 795.974609 : f32
    %broadcast_in_dim3A_7 = vector.broadcast %broadcast_in_dim3A_6 : f32 to vector<16xf32>
    %broadcast_in_dim3A_8 = arith.constant -747.974609 : f32
    %broadcast_in_dim3A_9 = vector.broadcast %broadcast_in_dim3A_8 : f32 to vector<16xf32>
    %swap3A = arith.constant 0 : index
    %swap3A_10 = tpu.vector_load %arg10[%swap3A] {strides = array<i32>} : memref<64xf32, #tpu.memory_space<vmem>>, vector<16xf32>,
    tpu.vector_store %arg10[%swap3A], %broadcast_in_dim3A_7 {strides = array<i32>} : memref<64xf32, #tpu.memory_space<vmem>>, vector<16xf32>,
    %swap3A_11 = arith.constant 16 : index
    %swap3A_12 = tpu.vector_load %arg10[%swap3A_11] {strides = array<i32>} : memref<64xf32, #tpu.memory_space<vmem>>, vector<16xf32>,
    tpu.vector_store %arg10[%swap3A_11], %broadcast_in_dim3A_7 {strides = array<i32>} : memref<64xf32, #tpu.memory_space<vmem>>, vector<16xf32>,
    %swap3A_13 = arith.constant 32 : index
    %swap3A_14 = tpu.vector_load %arg10[%swap3A_13] {strides = array<i32>} : memref<64xf32, #tpu.memory_space<vmem>>, vector<16xf32>,
    tpu.vector_store %arg10[%swap3A_13], %broadcast_in_dim3A_9 {strides = array<i32>} : memref<64xf32, #tpu.memory_space<vmem>>, vector<16xf32>,
    %swap3A_15 = arith.constant 48 : index
    %swap3A_16 = tpu.vector_load %arg10[%swap3A_15] {strides = array<i32>} : memref<64xf32, #tpu.memory_space<vmem>>, vector<16xf32>,
    tpu.vector_store %arg10[%swap3A_15], %broadcast_in_dim3A_9 {strides = array<i32>} : memref<64xf32, #tpu.memory_space<vmem>>, vector<16xf32>,
    "tpu.region"() ({
      %run_scoped3A = tpu.sem_alloc : memref<!tpu.dma_semaphore, #tpu.memory_space<semaphore_mem>>
      %dma_start3A_39 = arith.constant 0 : i32
      %dma_start3A_40 = tpu.memref_slice %arg10[%dma_start3A_39] : memref<64xf32, #tpu.memory_space<vmem>> -> memref<32xf32, #tpu.memory_space<vmem>>
      %dma_start3A_41 = tpu.memref_slice %arg4[%mul3A_2] : memref<1024xf32, #tpu.memory_space<hbm>> -> memref<32xf32, #tpu.memory_space<hbm>>
      %dma_start3A_42 = tpu.memref_slice %arg4[%mul3A_2] : memref<1024xf32, #tpu.memory_space<hbm>> -> memref<32xf32, #tpu.memory_space<hbm>>
      %dma_start3A_43 = arith.constant 0 : i32
      %dma_start3A_44 = tpu.memref_slice %arg10[%dma_start3A_43] : memref<64xf32, #tpu.memory_space<vmem>> -> memref<32xf32, #tpu.memory_space<vmem>>
      tpu.enqueue_dma source(%dma_start3A_44 : memref<32xf32, #tpu.memory_space<vmem>>) target(%dma_start3A_42 : memref<32xf32, #tpu.memory_space<hbm>>) target_semaphore(%run_scoped3A : memref<!tpu.dma_semaphore, #tpu.memory_space<semaphore_mem>>)
      %dma_wait3A_45 = arith.constant 0 : i32
      %dma_wait3A_46 = tpu.memref_slice %arg10[%dma_wait3A_45] : memref<64xf32, #tpu.memory_space<vmem>> -> memref<32xf32, #tpu.memory_space<vmem>>
      %dma_wait3A_47 = tpu.memref_slice %arg4[%mul3A_2] : memref<1024xf32, #tpu.memory_space<hbm>> -> memref<32xf32, #tpu.memory_space<hbm>>
      %dma_wait3A_48 = tpu.memref_slice %arg4[%mul3A_2] : memref<1024xf32, #tpu.memory_space<hbm>> -> memref<32xf32, #tpu.memory_space<hbm>>
      %dma_wait3A_49 = arith.constant 0 : i32
      %dma_wait3A_50 = tpu.memref_slice %arg10[%dma_wait3A_49] : memref<64xf32, #tpu.memory_space<vmem>> -> memref<32xf32, #tpu.memory_space<vmem>>
      tpu.wait_dma2 semaphore(%run_scoped3A : memref<!tpu.dma_semaphore, #tpu.memory_space<semaphore_mem>>) src(%dma_wait3A_50 : memref<32xf32, #tpu.memory_space<vmem>>) dst(%dma_wait3A_48 : memref<32xf32, #tpu.memory_space<hbm>>)
      tpu.yield
    }) : () -> ()
    "tpu.region"() ({
      %run_scoped3A = tpu.sem_alloc : memref<!tpu.dma_semaphore, #tpu.memory_space<semaphore_mem>>
      %dma_start3A_39 = arith.constant 32 : i32
      %dma_start3A_40 = tpu.memref_slice %arg10[%dma_start3A_39] : memref<64xf32, #tpu.memory_space<vmem>> -> memref<32xf32, #tpu.memory_space<vmem>>
      %dma_start3A_41 = tpu.memref_slice %arg5[%mul3A_2] : memref<1024xf32, #tpu.memory_space<hbm>> -> memref<32xf32, #tpu.memory_space<hbm>>
      %dma_start3A_42 = tpu.memref_slice %arg5[%mul3A_2] : memref<1024xf32, #tpu.memory_space<hbm>> -> memref<32xf32, #tpu.memory_space<hbm>>
      %dma_start3A_43 = arith.constant 32 : i32
      %dma_start3A_44 = tpu.memref_slice %arg10[%dma_start3A_43] : memref<64xf32, #tpu.memory_space<vmem>> -> memref<32xf32, #tpu.memory_space<vmem>>
      tpu.enqueue_dma source(%dma_start3A_44 : memref<32xf32, #tpu.memory_space<vmem>>) target(%dma_start3A_42 : memref<32xf32, #tpu.memory_space<hbm>>) target_semaphore(%run_scoped3A : memref<!tpu.dma_semaphore, #tpu.memory_space<semaphore_mem>>)
      %dma_wait3A_45 = arith.constant 32 : i32
      %dma_wait3A_46 = tpu.memref_slice %arg10[%dma_wait3A_45] : memref<64xf32, #tpu.memory_space<vmem>> -> memref<32xf32, #tpu.memory_space<vmem>>
      %dma_wait3A_47 = tpu.memref_slice %arg5[%mul3A_2] : memref<1024xf32, #tpu.memory_space<hbm>> -> memref<32xf32, #tpu.memory_space<hbm>>
      %dma_wait3A_48 = tpu.memref_slice %arg5[%mul3A_2] : memref<1024xf32, #tpu.memory_space<hbm>> -> memref<32xf32, #tpu.memory_space<hbm>>
      %dma_wait3A_49 = arith.constant 32 : i32
      %dma_wait3A_50 = tpu.memref_slice %arg10[%dma_wait3A_49] : memref<64xf32, #tpu.memory_space<vmem>> -> memref<32xf32, #tpu.memory_space<vmem>>
      tpu.wait_dma2 semaphore(%run_scoped3A : memref<!tpu.dma_semaphore, #tpu.memory_space<semaphore_mem>>) src(%dma_wait3A_50 : memref<32xf32, #tpu.memory_space<vmem>>) dst(%dma_wait3A_48 : memref<32xf32, #tpu.memory_space<hbm>>)
      tpu.yield
    }) : () -> ()
    %mul3A_17 = arith.constant 96 : i32
    %mul3A_18 = arith.muli %mul3A_2, %mul3A_17 : i32
    "tpu.region"() ({
      %run_scoped3A = tpu.sem_alloc : memref<!tpu.dma_semaphore, #tpu.memory_space<semaphore_mem>>
      %dma_start3A_39 = tpu.memref_slice %arg2[%mul3A_18] : memref<98304xf32, #tpu.memory_space<hbm>> -> memref<3072xf32, #tpu.memory_space<hbm>>
      %dma_start3A_40 = tpu.memref_slice %arg2[%mul3A_18] : memref<98304xf32, #tpu.memory_space<hbm>> -> memref<3072xf32, #tpu.memory_space<hbm>>
      tpu.enqueue_dma source(%dma_start3A_40 : memref<3072xf32, #tpu.memory_space<hbm>>) target(%arg7 : memref<3072xf32, #tpu.memory_space<vmem>>) target_semaphore(%run_scoped3A : memref<!tpu.dma_semaphore, #tpu.memory_space<semaphore_mem>>)
      %dma_wait3A_41 = tpu.memref_slice %arg2[%mul3A_18] : memref<98304xf32, #tpu.memory_space<hbm>> -> memref<3072xf32, #tpu.memory_space<hbm>>
      %dma_wait3A_42 = tpu.memref_slice %arg2[%mul3A_18] : memref<98304xf32, #tpu.memory_space<hbm>> -> memref<3072xf32, #tpu.memory_space<hbm>>
      tpu.wait_dma2 semaphore(%run_scoped3A : memref<!tpu.dma_semaphore, #tpu.memory_space<semaphore_mem>>) src(%dma_wait3A_42 : memref<3072xf32, #tpu.memory_space<hbm>>) dst(%arg7 : memref<3072xf32, #tpu.memory_space<vmem>>)
      tpu.yield
    }) : () -> ()
    %scan3A = arith.constant 0 : i32
    %scan3A_19 = arith.constant 192 : i32
    %scan3A_20 = arith.addi %scan3A, %scan3A_19 : i32
    %scan3A_21 = arith.constant 1 : i32
    scf.for %scan3A_39 = %scan3A to %scan3A_20 step %scan3A_21  : i32 {
      %mul3A_40 = arith.constant 16 : i32
      %mul3A_41 = arith.muli %scan3A_39, %mul3A_40 : i32
      %get3A = arith.index_cast %mul3A_41 : i32 to index
      %get3A_42 = tpu.vector_load %arg7[%get3A] {strides = array<i32>} : memref<3072xf32, #tpu.memory_space<vmem>>, vector<16xf32>,
      %abs3A = math.absf %get3A_42 : vector<16xf32>
      %neg3A = arith.constant 0.000000e+00 : f32
      %neg3A_43 = vector.broadcast %neg3A : f32 to vector<16xf32>
      %neg3A_44 = arith.subf %neg3A_43, %abs3A : vector<16xf32>
      %exp3A = math.exp %neg3A_44 : vector<16xf32>
      %add3A_45 = arith.constant 1.000000e+00 : f32
      %add3A_46 = vector.broadcast %add3A_45 : f32 to vector<16xf32>
      %add3A_47 = arith.addf %add3A_46, %exp3A : vector<16xf32>
      %div3A = arith.constant 1.000000e+00 : f32
      %div3A_48 = vector.broadcast %div3A : f32 to vector<16xf32>
      %div3A_49 = arith.divf %div3A_48, %add3A_47 : vector<16xf32>
      %ge3A = arith.constant 0.000000e+00 : f32
      %ge3A_50 = vector.broadcast %ge3A : f32 to vector<16xf32>
      %ge3A_51 = arith.cmpf oge, %get3A_42, %ge3A_50 : vector<16xf32>
      %add3A_52 = arith.constant 1.000000e+00 : f32
      %add3A_53 = vector.broadcast %add3A_52 : f32 to vector<16xf32>
      %add3A_54 = arith.addf %add3A_53, %exp3A : vector<16xf32>
      %div3A_55 = arith.divf %exp3A, %add3A_54 : vector<16xf32>
      %select_n3A = arith.select %ge3A_51, %div3A_49, %div3A_55 : vector<16xi1>, vector<16xf32>
      %swap3A_56 = arith.index_cast %mul3A_41 : i32 to index
      %swap3A_57 = tpu.vector_load %arg7[%swap3A_56] {strides = array<i32>} : memref<3072xf32, #tpu.memory_space<vmem>>, vector<16xf32>,
      tpu.vector_store %arg7[%swap3A_56], %select_n3A {strides = array<i32>} : memref<3072xf32, #tpu.memory_space<vmem>>, vector<16xf32>,
    }
    %scan3A_22 = arith.constant 192 : i32
    %mul3A_23 = arith.constant 96 : i32
    %mul3A_24 = arith.muli %mul3A_2, %mul3A_23 : i32
    %dma_start3A = tpu.memref_slice %arg6[%mul3A_24] : memref<98304xf32, #tpu.memory_space<hbm>> -> memref<3072xf32, #tpu.memory_space<hbm>>
    %dma_start3A_25 = tpu.memref_slice %arg6[%mul3A_24] : memref<98304xf32, #tpu.memory_space<hbm>> -> memref<3072xf32, #tpu.memory_space<hbm>>
    tpu.enqueue_dma source(%arg7 : memref<3072xf32, #tpu.memory_space<vmem>>) target(%dma_start3A_25 : memref<3072xf32, #tpu.memory_space<hbm>>) target_semaphore(%arg11 : memref<!tpu.dma_semaphore, #tpu.memory_space<semaphore_mem>>)
    %scan3A_26 = arith.constant 0 : i32
    %scan3A_27 = arith.constant 32 : i32
    %scan3A_28 = arith.addi %scan3A_26, %scan3A_27 : i32
    %scan3A_29 = arith.constant 1 : i32
    scf.for %scan3A_39 = %scan3A_26 to %scan3A_28 step %scan3A_29  : i32 {
      %mul3A_40 = arith.constant 128 : i32
      %mul3A_41 = arith.muli %scan3A_39, %mul3A_40 : i32
      %add3A_42 = arith.constant 0 : i32
      %add3A_43 = arith.addi %mul3A_41, %add3A_42 : i32
      %swap3A_44 = arith.index_cast %add3A_43 : i32 to index
      %swap3A_45 = tpu.vector_load %arg8[%swap3A_44] {strides = array<i32>} : memref<4096xf32, #tpu.memory_space<vmem>>, vector<16xf32>,
      tpu.vector_store %arg8[%swap3A_44], %broadcast_in_dim3A_5 {strides = array<i32>} : memref<4096xf32, #tpu.memory_space<vmem>>, vector<16xf32>,
      %mul3A_46 = arith.constant 128 : i32
      %mul3A_47 = arith.muli %scan3A_39, %mul3A_46 : i32
      %add3A_48 = arith.constant 16 : i32
      %add3A_49 = arith.addi %mul3A_47, %add3A_48 : i32
      %swap3A_50 = arith.index_cast %add3A_49 : i32 to index
      %swap3A_51 = tpu.vector_load %arg8[%swap3A_50] {strides = array<i32>} : memref<4096xf32, #tpu.memory_space<vmem>>, vector<16xf32>,
      tpu.vector_store %arg8[%swap3A_50], %broadcast_in_dim3A_5 {strides = array<i32>} : memref<4096xf32, #tpu.memory_space<vmem>>, vector<16xf32>,
      %mul3A_52 = arith.constant 128 : i32
      %mul3A_53 = arith.muli %scan3A_39, %mul3A_52 : i32
      %add3A_54 = arith.constant 32 : i32
      %add3A_55 = arith.addi %mul3A_53, %add3A_54 : i32
      %swap3A_56 = arith.index_cast %add3A_55 : i32 to index
      %swap3A_57 = tpu.vector_load %arg8[%swap3A_56] {strides = array<i32>} : memref<4096xf32, #tpu.memory_space<vmem>>, vector<16xf32>,
      tpu.vector_store %arg8[%swap3A_56], %broadcast_in_dim3A_5 {strides = array<i32>} : memref<4096xf32, #tpu.memory_space<vmem>>, vector<16xf32>,
      %mul3A_58 = arith.constant 128 : i32
      %mul3A_59 = arith.muli %scan3A_39, %mul3A_58 : i32
      %add3A_60 = arith.constant 48 : i32
      %add3A_61 = arith.addi %mul3A_59, %add3A_60 : i32
      %swap3A_62 = arith.index_cast %add3A_61 : i32 to index
      %swap3A_63 = tpu.vector_load %arg8[%swap3A_62] {strides = array<i32>} : memref<4096xf32, #tpu.memory_space<vmem>>, vector<16xf32>,
      tpu.vector_store %arg8[%swap3A_62], %broadcast_in_dim3A_5 {strides = array<i32>} : memref<4096xf32, #tpu.memory_space<vmem>>, vector<16xf32>,
      %mul3A_64 = arith.constant 128 : i32
      %mul3A_65 = arith.muli %scan3A_39, %mul3A_64 : i32
      %add3A_66 = arith.constant 64 : i32
      %add3A_67 = arith.addi %mul3A_65, %add3A_66 : i32
      %swap3A_68 = arith.index_cast %add3A_67 : i32 to index
      %swap3A_69 = tpu.vector_load %arg8[%swap3A_68] {strides = array<i32>} : memref<4096xf32, #tpu.memory_space<vmem>>, vector<16xf32>,
      tpu.vector_store %arg8[%swap3A_68], %broadcast_in_dim3A_5 {strides = array<i32>} : memref<4096xf32, #tpu.memory_space<vmem>>, vector<16xf32>,
      %mul3A_70 = arith.constant 128 : i32
      %mul3A_71 = arith.muli %scan3A_39, %mul3A_70 : i32
      %add3A_72 = arith.constant 80 : i32
      %add3A_73 = arith.addi %mul3A_71, %add3A_72 : i32
      %swap3A_74 = arith.index_cast %add3A_73 : i32 to index
      %swap3A_75 = tpu.vector_load %arg8[%swap3A_74] {strides = array<i32>} : memref<4096xf32, #tpu.memory_space<vmem>>, vector<16xf32>,
      tpu.vector_store %arg8[%swap3A_74], %broadcast_in_dim3A_5 {strides = array<i32>} : memref<4096xf32, #tpu.memory_space<vmem>>, vector<16xf32>,
      %mul3A_76 = arith.constant 128 : i32
      %mul3A_77 = arith.muli %scan3A_39, %mul3A_76 : i32
      %add3A_78 = arith.constant 96 : i32
      %add3A_79 = arith.addi %mul3A_77, %add3A_78 : i32
      %swap3A_80 = arith.index_cast %add3A_79 : i32 to index
      %swap3A_81 = tpu.vector_load %arg8[%swap3A_80] {strides = array<i32>} : memref<4096xf32, #tpu.memory_space<vmem>>, vector<16xf32>,
      tpu.vector_store %arg8[%swap3A_80], %broadcast_in_dim3A_5 {strides = array<i32>} : memref<4096xf32, #tpu.memory_space<vmem>>, vector<16xf32>,
      %mul3A_82 = arith.constant 128 : i32
      %mul3A_83 = arith.muli %scan3A_39, %mul3A_82 : i32
      %add3A_84 = arith.constant 112 : i32
      %add3A_85 = arith.addi %mul3A_83, %add3A_84 : i32
      %swap3A_86 = arith.index_cast %add3A_85 : i32 to index
      %swap3A_87 = tpu.vector_load %arg8[%swap3A_86] {strides = array<i32>} : memref<4096xf32, #tpu.memory_space<vmem>>, vector<16xf32>,
      tpu.vector_store %arg8[%swap3A_86], %broadcast_in_dim3A_5 {strides = array<i32>} : memref<4096xf32, #tpu.memory_space<vmem>>, vector<16xf32>,
    }
    %scan3A_30 = arith.constant 32 : i32
    %scan3A_31 = arith.constant 0 : i32
    %scan3A_32 = arith.constant 32 : i32
    %scan3A_33 = arith.addi %scan3A_31, %scan3A_32 : i32
    %scan3A_34 = arith.constant 1 : i32
    scf.for %scan3A_39 = %scan3A_31 to %scan3A_33 step %scan3A_34  : i32 {
      %mul3A_40 = arith.constant 96 : i32
      %mul3A_41 = arith.muli %scan3A_39, %mul3A_40 : i32
      %mul3A_42 = arith.constant 6 : i32
      %mul3A_43 = vector.broadcast %mul3A_42 : i32 to vector<16xi32>
      %mul3A_44 = arith.muli %iota3A, %mul3A_43 : vector<16xi32>
      %add3A_45 = vector.broadcast %mul3A_41 : i32 to vector<16xi32>
      %add3A_46 = arith.addi %mul3A_44, %add3A_45 : vector<16xi32>
      %add3A_47 = arith.constant 0 : i32
      %add3A_48 = vector.broadcast %add3A_47 : i32 to vector<16xi32>
      %add3A_49 = arith.addi %add3A_46, %add3A_48 : vector<16xi32>
      %gather3A = tpu.vector_load_idx %arg7[%add3A_49] : memref<3072xf32, #tpu.memory_space<vmem>>[vector<16xi32>], vector<16xf32>,
      %mul3A_50 = arith.constant 6.400000e+01 : f32
      %mul3A_51 = vector.broadcast %mul3A_50 : f32 to vector<16xf32>
      %mul3A_52 = arith.mulf %gather3A, %mul3A_51 : vector<16xf32>
      %add3A_53 = arith.constant 1 : i32
      %add3A_54 = vector.broadcast %add3A_53 : i32 to vector<16xi32>
      %add3A_55 = arith.addi %add3A_46, %add3A_54 : vector<16xi32>
      %gather3A_56 = tpu.vector_load_idx %arg7[%add3A_55] : memref<3072xf32, #tpu.memory_space<vmem>>[vector<16xi32>], vector<16xf32>,
      %mul3A_57 = arith.constant 6.400000e+01 : f32
      %mul3A_58 = vector.broadcast %mul3A_57 : f32 to vector<16xf32>
      %mul3A_59 = arith.mulf %gather3A_56, %mul3A_58 : vector<16xf32>
      %add3A_60 = arith.constant 2 : i32
      %add3A_61 = vector.broadcast %add3A_60 : i32 to vector<16xi32>
      %add3A_62 = arith.addi %add3A_46, %add3A_61 : vector<16xi32>
      %gather3A_63 = tpu.vector_load_idx %arg7[%add3A_62] : memref<3072xf32, #tpu.memory_space<vmem>>[vector<16xi32>], vector<16xf32>,
      %mul3A_64 = arith.constant 6.400000e+01 : f32
      %mul3A_65 = vector.broadcast %mul3A_64 : f32 to vector<16xf32>
      %mul3A_66 = arith.mulf %gather3A_63, %mul3A_65 : vector<16xf32>
      %add3A_67 = arith.constant 3 : i32
      %add3A_68 = vector.broadcast %add3A_67 : i32 to vector<16xi32>
      %add3A_69 = arith.addi %add3A_46, %add3A_68 : vector<16xi32>
      %gather3A_70 = tpu.vector_load_idx %arg7[%add3A_69] : memref<3072xf32, #tpu.memory_space<vmem>>[vector<16xi32>], vector<16xf32>,
      %mul3A_71 = arith.constant 6.400000e+01 : f32
      %mul3A_72 = vector.broadcast %mul3A_71 : f32 to vector<16xf32>
      %mul3A_73 = arith.mulf %gather3A_70, %mul3A_72 : vector<16xf32>
      %add3A_74 = arith.constant 4 : i32
      %add3A_75 = vector.broadcast %add3A_74 : i32 to vector<16xi32>
      %add3A_76 = arith.addi %add3A_46, %add3A_75 : vector<16xi32>
      %gather3A_77 = tpu.vector_load_idx %arg7[%add3A_76] : memref<3072xf32, #tpu.memory_space<vmem>>[vector<16xi32>], vector<16xf32>,
      %mul3A_78 = arith.constant 6.400000e+01 : f32
      %mul3A_79 = vector.broadcast %mul3A_78 : f32 to vector<16xf32>
      %mul3A_80 = arith.mulf %gather3A_77, %mul3A_79 : vector<16xf32>
      %add3A_81 = arith.constant 5 : i32
      %add3A_82 = vector.broadcast %add3A_81 : i32 to vector<16xi32>
      %add3A_83 = arith.addi %add3A_46, %add3A_82 : vector<16xi32>
      %gather3A_84 = tpu.vector_load_idx %arg7[%add3A_83] : memref<3072xf32, #tpu.memory_space<vmem>>[vector<16xi32>], vector<16xf32>,
      %mul3A_85 = arith.constant 6.400000e+01 : f32
      %mul3A_86 = vector.broadcast %mul3A_85 : f32 to vector<16xf32>
      %mul3A_87 = arith.mulf %gather3A_84, %mul3A_86 : vector<16xf32>
      %scan3A_88 = arith.constant 0 : i32
      %scan3A_89 = arith.constant 50 : i32
      %scan3A_90 = arith.addi %scan3A_88, %scan3A_89 : i32
      %scan3A_91 = arith.constant 1 : i32
      scf.for %scan3A_99 = %scan3A_88 to %scan3A_90 step %scan3A_91  : i32 {
        %convert_element_type3A = arith.sitofp %scan3A_99 : i32 to f32
        %mul3A_100 = arith.constant 0.0204081628 : f32
        %mul3A_101 = arith.mulf %convert_element_type3A, %mul3A_100 : f32
        %sub3A = arith.constant 1.000000e+00 : f32
        %sub3A_102 = arith.subf %sub3A, %mul3A_101 : f32
        %mul3A_103 = arith.mulf %sub3A_102, %sub3A_102 : f32
        %mul3A_104 = arith.constant 2.000000e+00 : f32
        %mul3A_105 = arith.mulf %mul3A_104, %sub3A_102 : f32
        %mul3A_106 = arith.mulf %mul3A_105, %mul3A_101 : f32
        %mul3A_107 = arith.mulf %mul3A_101, %mul3A_101 : f32
        %mul3A_108 = vector.broadcast %mul3A_103 : f32 to vector<16xf32>
        %mul3A_109 = arith.mulf %mul3A_108, %mul3A_52 : vector<16xf32>
        %mul3A_110 = vector.broadcast %mul3A_106 : f32 to vector<16xf32>
        %mul3A_111 = arith.mulf %mul3A_110, %mul3A_66 : vector<16xf32>
        %add3A_112 = arith.addf %mul3A_109, %mul3A_111 : vector<16xf32>
        %mul3A_113 = vector.broadcast %mul3A_107 : f32 to vector<16xf32>
        %mul3A_114 = arith.mulf %mul3A_113, %mul3A_80 : vector<16xf32>
        %add3A_115 = arith.addf %add3A_112, %mul3A_114 : vector<16xf32>
        %mul3A_116 = vector.broadcast %mul3A_103 : f32 to vector<16xf32>
        %mul3A_117 = arith.mulf %mul3A_116, %mul3A_59 : vector<16xf32>
        %mul3A_118 = vector.broadcast %mul3A_106 : f32 to vector<16xf32>
        %mul3A_119 = arith.mulf %mul3A_118, %mul3A_73 : vector<16xf32>
        %add3A_120 = arith.addf %mul3A_117, %mul3A_119 : vector<16xf32>
        %mul3A_121 = vector.broadcast %mul3A_107 : f32 to vector<16xf32>
        %mul3A_122 = arith.mulf %mul3A_121, %mul3A_87 : vector<16xf32>
        %add3A_123 = arith.addf %add3A_120, %mul3A_122 : vector<16xf32>
        %add3A_124 = arith.constant 0x4B000000 : f32
        %add3A_125 = vector.broadcast %add3A_124 : f32 to vector<16xf32>
        %add3A_126 = arith.addf %add3A_115, %add3A_125 : vector<16xf32>
        %sub3A_127 = arith.constant 0x4B000000 : f32
        %sub3A_128 = vector.broadcast %sub3A_127 : f32 to vector<16xf32>
        %sub3A_129 = arith.subf %add3A_126, %sub3A_128 : vector<16xf32>
        %convert_element_type3A_130 = arith.fptosi %sub3A_129 : vector<16xf32> to vector<16xi32>
        %add3A_131 = arith.constant 0x4B000000 : f32
        %add3A_132 = vector.broadcast %add3A_131 : f32 to vector<16xf32>
        %add3A_133 = arith.addf %add3A_123, %add3A_132 : vector<16xf32>
        %sub3A_134 = arith.constant 0x4B000000 : f32
        %sub3A_135 = vector.broadcast %sub3A_134 : f32 to vector<16xf32>
        %sub3A_136 = arith.subf %add3A_133, %sub3A_135 : vector<16xf32>
        %convert_element_type3A_137 = arith.fptosi %sub3A_136 : vector<16xf32> to vector<16xi32>
        %sub3A_138 = arith.constant 1 : i32
        %sub3A_139 = vector.broadcast %sub3A_138 : i32 to vector<16xi32>
        %sub3A_140 = arith.subi %convert_element_type3A_130, %sub3A_139 : vector<16xi32>
        %max3A = arith.constant 0 : i32
        %max3A_141 = vector.broadcast %max3A : i32 to vector<16xi32>
        %max3A_142 = arith.maxsi %sub3A_140, %max3A_141 : vector<16xi32>
        %mul3A_143 = arith.constant 64 : i32
        %mul3A_144 = vector.broadcast %mul3A_143 : i32 to vector<16xi32>
        %mul3A_145 = arith.muli %max3A_142, %mul3A_144 : vector<16xi32>
        %min3A = arith.constant 63 : i32
        %min3A_146 = vector.broadcast %min3A : i32 to vector<16xi32>
        %min3A_147 = arith.minsi %convert_element_type3A_130, %min3A_146 : vector<16xi32>
        %mul3A_148 = arith.constant 64 : i32
        %mul3A_149 = vector.broadcast %mul3A_148 : i32 to vector<16xi32>
        %mul3A_150 = arith.muli %min3A_147, %mul3A_149 : vector<16xi32>
        %add3A_151 = arith.constant 1 : i32
        %add3A_152 = vector.broadcast %add3A_151 : i32 to vector<16xi32>
        %add3A_153 = arith.addi %convert_element_type3A_130, %add3A_152 : vector<16xi32>
        %min3A_154 = arith.constant 63 : i32
        %min3A_155 = vector.broadcast %min3A_154 : i32 to vector<16xi32>
        %min3A_156 = arith.minsi %add3A_153, %min3A_155 : vector<16xi32>
        %mul3A_157 = arith.constant 64 : i32
        %mul3A_158 = vector.broadcast %mul3A_157 : i32 to vector<16xi32>
        %mul3A_159 = arith.muli %min3A_156, %mul3A_158 : vector<16xi32>
        %sub3A_160 = arith.constant 1 : i32
        %sub3A_161 = vector.broadcast %sub3A_160 : i32 to vector<16xi32>
        %sub3A_162 = arith.subi %convert_element_type3A_137, %sub3A_161 : vector<16xi32>
        %max3A_163 = arith.constant 0 : i32
        %max3A_164 = vector.broadcast %max3A_163 : i32 to vector<16xi32>
        %max3A_165 = arith.maxsi %sub3A_162, %max3A_164 : vector<16xi32>
        %min3A_166 = arith.constant 63 : i32
        %min3A_167 = vector.broadcast %min3A_166 : i32 to vector<16xi32>
        %min3A_168 = arith.minsi %convert_element_type3A_137, %min3A_167 : vector<16xi32>
        %add3A_169 = arith.constant 1 : i32
        %add3A_170 = vector.broadcast %add3A_169 : i32 to vector<16xi32>
        %add3A_171 = arith.addi %convert_element_type3A_137, %add3A_170 : vector<16xi32>
        %min3A_172 = arith.constant 63 : i32
        %min3A_173 = vector.broadcast %min3A_172 : i32 to vector<16xi32>
        %min3A_174 = arith.minsi %add3A_171, %min3A_173 : vector<16xi32>
        %add3A_175 = arith.addi %mul3A_145, %max3A_165 : vector<16xi32>
        tpu.vector_store_idx %arg8[%add3A_175], %broadcast_in_dim3A_3 {add = true} : memref<4096xf32, #tpu.memory_space<vmem>>[vector<16xi32>], vector<16xf32>,
        %add3A_176 = arith.addi %mul3A_145, %min3A_168 : vector<16xi32>
        tpu.vector_store_idx %arg8[%add3A_176], %broadcast_in_dim3A_3 {add = true} : memref<4096xf32, #tpu.memory_space<vmem>>[vector<16xi32>], vector<16xf32>,
        %add3A_177 = arith.addi %mul3A_145, %min3A_174 : vector<16xi32>
        tpu.vector_store_idx %arg8[%add3A_177], %broadcast_in_dim3A_3 {add = true} : memref<4096xf32, #tpu.memory_space<vmem>>[vector<16xi32>], vector<16xf32>,
        %add3A_178 = arith.addi %mul3A_150, %max3A_165 : vector<16xi32>
        tpu.vector_store_idx %arg8[%add3A_178], %broadcast_in_dim3A_3 {add = true} : memref<4096xf32, #tpu.memory_space<vmem>>[vector<16xi32>], vector<16xf32>,
        %add3A_179 = arith.addi %mul3A_150, %min3A_168 : vector<16xi32>
        tpu.vector_store_idx %arg8[%add3A_179], %broadcast_in_dim3A_3 {add = true} : memref<4096xf32, #tpu.memory_space<vmem>>[vector<16xi32>], vector<16xf32>,
        %add3A_180 = arith.addi %mul3A_150, %min3A_174 : vector<16xi32>
        tpu.vector_store_idx %arg8[%add3A_180], %broadcast_in_dim3A_3 {add = true} : memref<4096xf32, #tpu.memory_space<vmem>>[vector<16xi32>], vector<16xf32>,
        %add3A_181 = arith.addi %mul3A_159, %max3A_165 : vector<16xi32>
        tpu.vector_store_idx %arg8[%add3A_181], %broadcast_in_dim3A_3 {add = true} : memref<4096xf32, #tpu.memory_space<vmem>>[vector<16xi32>], vector<16xf32>,
        %add3A_182 = arith.addi %mul3A_159, %min3A_168 : vector<16xi32>
        tpu.vector_store_idx %arg8[%add3A_182], %broadcast_in_dim3A_3 {add = true} : memref<4096xf32, #tpu.memory_space<vmem>>[vector<16xi32>], vector<16xf32>,
        %add3A_183 = arith.addi %mul3A_159, %min3A_174 : vector<16xi32>
        tpu.vector_store_idx %arg8[%add3A_183], %broadcast_in_dim3A_3 {add = true} : memref<4096xf32, #tpu.memory_space<vmem>>[vector<16xi32>], vector<16xf32>,
      }
      %scan3A_92 = arith.constant 50 : i32
      %scan3A_93 = arith.constant 0 : i32
      %scan3A_94 = arith.constant 32 : i32
      %scan3A_95 = arith.addi %scan3A_93, %scan3A_94 : i32
      %scan3A_96 = arith.constant 1 : i32
      scf.for %scan3A_99 = %scan3A_93 to %scan3A_95 step %scan3A_96  : i32 {
        %mul3A_100 = arith.constant 128 : i32
        %mul3A_101 = arith.muli %scan3A_99, %mul3A_100 : i32
        %add3A_102 = arith.constant 0 : i32
        %add3A_103 = arith.addi %mul3A_101, %add3A_102 : i32
        %get3A = arith.index_cast %add3A_103 : i32 to index
        %get3A_104 = tpu.vector_load %arg8[%get3A] {strides = array<i32>} : memref<4096xf32, #tpu.memory_space<vmem>>, vector<16xf32>,
        %max3A = arith.constant 0.000000e+00 : f32
        %max3A_105 = vector.broadcast %max3A : f32 to vector<16xf32>
        %max3A_106 = arith.maximumf %get3A_104, %max3A_105 : vector<16xf32>
        %swap3A_107 = arith.index_cast %scan3A_99 : i32 to index
        %swap3A_108 = arith.constant 0 : index
        %swap3A_109 = tpu.vector_load %arg9[%swap3A_107, %swap3A_108] {strides = array<i32>} : memref<32x128xf32, #tpu.memory_space<vmem>>, vector<16xf32>,
        tpu.vector_store %arg9[%swap3A_107, %swap3A_108], %max3A_106 {strides = array<i32>} : memref<32x128xf32, #tpu.memory_space<vmem>>, vector<16xf32>,
        %swap3A_110 = arith.index_cast %add3A_103 : i32 to index
        %swap3A_111 = tpu.vector_load %arg8[%swap3A_110] {strides = array<i32>} : memref<4096xf32, #tpu.memory_space<vmem>>, vector<16xf32>,
        tpu.vector_store %arg8[%swap3A_110], %broadcast_in_dim3A_5 {strides = array<i32>} : memref<4096xf32, #tpu.memory_space<vmem>>, vector<16xf32>,
        %mul3A_112 = arith.constant 128 : i32
        %mul3A_113 = arith.muli %scan3A_99, %mul3A_112 : i32
        %add3A_114 = arith.constant 16 : i32
        %add3A_115 = arith.addi %mul3A_113, %add3A_114 : i32
        %get3A_116 = arith.index_cast %add3A_115 : i32 to index
        %get3A_117 = tpu.vector_load %arg8[%get3A_116] {strides = array<i32>} : memref<4096xf32, #tpu.memory_space<vmem>>, vector<16xf32>,
        %max3A_118 = arith.constant 0.000000e+00 : f32
        %max3A_119 = vector.broadcast %max3A_118 : f32 to vector<16xf32>
        %max3A_120 = arith.maximumf %get3A_117, %max3A_119 : vector<16xf32>
        %swap3A_121 = arith.index_cast %scan3A_99 : i32 to index
        %swap3A_122 = arith.constant 16 : index
        %swap3A_123 = tpu.vector_load %arg9[%swap3A_121, %swap3A_122] {strides = array<i32>} : memref<32x128xf32, #tpu.memory_space<vmem>>, vector<16xf32>,
        tpu.vector_store %arg9[%swap3A_121, %swap3A_122], %max3A_120 {strides = array<i32>} : memref<32x128xf32, #tpu.memory_space<vmem>>, vector<16xf32>,
        %swap3A_124 = arith.index_cast %add3A_115 : i32 to index
        %swap3A_125 = tpu.vector_load %arg8[%swap3A_124] {strides = array<i32>} : memref<4096xf32, #tpu.memory_space<vmem>>, vector<16xf32>,
        tpu.vector_store %arg8[%swap3A_124], %broadcast_in_dim3A_5 {strides = array<i32>} : memref<4096xf32, #tpu.memory_space<vmem>>, vector<16xf32>,
        %mul3A_126 = arith.constant 128 : i32
        %mul3A_127 = arith.muli %scan3A_99, %mul3A_126 : i32
        %add3A_128 = arith.constant 32 : i32
        %add3A_129 = arith.addi %mul3A_127, %add3A_128 : i32
        %get3A_130 = arith.index_cast %add3A_129 : i32 to index
        %get3A_131 = tpu.vector_load %arg8[%get3A_130] {strides = array<i32>} : memref<4096xf32, #tpu.memory_space<vmem>>, vector<16xf32>,
        %max3A_132 = arith.constant 0.000000e+00 : f32
        %max3A_133 = vector.broadcast %max3A_132 : f32 to vector<16xf32>
        %max3A_134 = arith.maximumf %get3A_131, %max3A_133 : vector<16xf32>
        %swap3A_135 = arith.index_cast %scan3A_99 : i32 to index
        %swap3A_136 = arith.constant 32 : index
        %swap3A_137 = tpu.vector_load %arg9[%swap3A_135, %swap3A_136] {strides = array<i32>} : memref<32x128xf32, #tpu.memory_space<vmem>>, vector<16xf32>,
        tpu.vector_store %arg9[%swap3A_135, %swap3A_136], %max3A_134 {strides = array<i32>} : memref<32x128xf32, #tpu.memory_space<vmem>>, vector<16xf32>,
        %swap3A_138 = arith.index_cast %add3A_129 : i32 to index
        %swap3A_139 = tpu.vector_load %arg8[%swap3A_138] {strides = array<i32>} : memref<4096xf32, #tpu.memory_space<vmem>>, vector<16xf32>,
        tpu.vector_store %arg8[%swap3A_138], %broadcast_in_dim3A_5 {strides = array<i32>} : memref<4096xf32, #tpu.memory_space<vmem>>, vector<16xf32>,
        %mul3A_140 = arith.constant 128 : i32
        %mul3A_141 = arith.muli %scan3A_99, %mul3A_140 : i32
        %add3A_142 = arith.constant 48 : i32
        %add3A_143 = arith.addi %mul3A_141, %add3A_142 : i32
        %get3A_144 = arith.index_cast %add3A_143 : i32 to index
        %get3A_145 = tpu.vector_load %arg8[%get3A_144] {strides = array<i32>} : memref<4096xf32, #tpu.memory_space<vmem>>, vector<16xf32>,
        %max3A_146 = arith.constant 0.000000e+00 : f32
        %max3A_147 = vector.broadcast %max3A_146 : f32 to vector<16xf32>
        %max3A_148 = arith.maximumf %get3A_145, %max3A_147 : vector<16xf32>
        %swap3A_149 = arith.index_cast %scan3A_99 : i32 to index
        %swap3A_150 = arith.constant 48 : index
        %swap3A_151 = tpu.vector_load %arg9[%swap3A_149, %swap3A_150] {strides = array<i32>} : memref<32x128xf32, #tpu.memory_space<vmem>>, vector<16xf32>,
        tpu.vector_store %arg9[%swap3A_149, %swap3A_150], %max3A_148 {strides = array<i32>} : memref<32x128xf32, #tpu.memory_space<vmem>>, vector<16xf32>,
        %swap3A_152 = arith.index_cast %add3A_143 : i32 to index
        %swap3A_153 = tpu.vector_load %arg8[%swap3A_152] {strides = array<i32>} : memref<4096xf32, #tpu.memory_space<vmem>>, vector<16xf32>,
        tpu.vector_store %arg8[%swap3A_152], %broadcast_in_dim3A_5 {strides = array<i32>} : memref<4096xf32, #tpu.memory_space<vmem>>, vector<16xf32>,
        %mul3A_154 = arith.constant 128 : i32
        %mul3A_155 = arith.muli %scan3A_99, %mul3A_154 : i32
        %add3A_156 = arith.constant 64 : i32
        %add3A_157 = arith.addi %mul3A_155, %add3A_156 : i32
        %get3A_158 = arith.index_cast %add3A_157 : i32 to index
        %get3A_159 = tpu.vector_load %arg8[%get3A_158] {strides = array<i32>} : memref<4096xf32, #tpu.memory_space<vmem>>, vector<16xf32>,
        %max3A_160 = arith.constant 0.000000e+00 : f32
        %max3A_161 = vector.broadcast %max3A_160 : f32 to vector<16xf32>
        %max3A_162 = arith.maximumf %get3A_159, %max3A_161 : vector<16xf32>
        %swap3A_163 = arith.index_cast %scan3A_99 : i32 to index
        %swap3A_164 = arith.constant 64 : index
        %swap3A_165 = tpu.vector_load %arg9[%swap3A_163, %swap3A_164] {strides = array<i32>} : memref<32x128xf32, #tpu.memory_space<vmem>>, vector<16xf32>,
        tpu.vector_store %arg9[%swap3A_163, %swap3A_164], %max3A_162 {strides = array<i32>} : memref<32x128xf32, #tpu.memory_space<vmem>>, vector<16xf32>,
        %swap3A_166 = arith.index_cast %add3A_157 : i32 to index
        %swap3A_167 = tpu.vector_load %arg8[%swap3A_166] {strides = array<i32>} : memref<4096xf32, #tpu.memory_space<vmem>>, vector<16xf32>,
        tpu.vector_store %arg8[%swap3A_166], %broadcast_in_dim3A_5 {strides = array<i32>} : memref<4096xf32, #tpu.memory_space<vmem>>, vector<16xf32>,
        %mul3A_168 = arith.constant 128 : i32
        %mul3A_169 = arith.muli %scan3A_99, %mul3A_168 : i32
        %add3A_170 = arith.constant 80 : i32
        %add3A_171 = arith.addi %mul3A_169, %add3A_170 : i32
        %get3A_172 = arith.index_cast %add3A_171 : i32 to index
        %get3A_173 = tpu.vector_load %arg8[%get3A_172] {strides = array<i32>} : memref<4096xf32, #tpu.memory_space<vmem>>, vector<16xf32>,
        %max3A_174 = arith.constant 0.000000e+00 : f32
        %max3A_175 = vector.broadcast %max3A_174 : f32 to vector<16xf32>
        %max3A_176 = arith.maximumf %get3A_173, %max3A_175 : vector<16xf32>
        %swap3A_177 = arith.index_cast %scan3A_99 : i32 to index
        %swap3A_178 = arith.constant 80 : index
        %swap3A_179 = tpu.vector_load %arg9[%swap3A_177, %swap3A_178] {strides = array<i32>} : memref<32x128xf32, #tpu.memory_space<vmem>>, vector<16xf32>,
        tpu.vector_store %arg9[%swap3A_177, %swap3A_178], %max3A_176 {strides = array<i32>} : memref<32x128xf32, #tpu.memory_space<vmem>>, vector<16xf32>,
        %swap3A_180 = arith.index_cast %add3A_171 : i32 to index
        %swap3A_181 = tpu.vector_load %arg8[%swap3A_180] {strides = array<i32>} : memref<4096xf32, #tpu.memory_space<vmem>>, vector<16xf32>,
        tpu.vector_store %arg8[%swap3A_180], %broadcast_in_dim3A_5 {strides = array<i32>} : memref<4096xf32, #tpu.memory_space<vmem>>, vector<16xf32>,
        %mul3A_182 = arith.constant 128 : i32
        %mul3A_183 = arith.muli %scan3A_99, %mul3A_182 : i32
        %add3A_184 = arith.constant 96 : i32
        %add3A_185 = arith.addi %mul3A_183, %add3A_184 : i32
        %get3A_186 = arith.index_cast %add3A_185 : i32 to index
        %get3A_187 = tpu.vector_load %arg8[%get3A_186] {strides = array<i32>} : memref<4096xf32, #tpu.memory_space<vmem>>, vector<16xf32>,
        %max3A_188 = arith.constant 0.000000e+00 : f32
        %max3A_189 = vector.broadcast %max3A_188 : f32 to vector<16xf32>
        %max3A_190 = arith.maximumf %get3A_187, %max3A_189 : vector<16xf32>
        %swap3A_191 = arith.index_cast %scan3A_99 : i32 to index
        %swap3A_192 = arith.constant 96 : index
        %swap3A_193 = tpu.vector_load %arg9[%swap3A_191, %swap3A_192] {strides = array<i32>} : memref<32x128xf32, #tpu.memory_space<vmem>>, vector<16xf32>,
        tpu.vector_store %arg9[%swap3A_191, %swap3A_192], %max3A_190 {strides = array<i32>} : memref<32x128xf32, #tpu.memory_space<vmem>>, vector<16xf32>,
        %swap3A_194 = arith.index_cast %add3A_185 : i32 to index
        %swap3A_195 = tpu.vector_load %arg8[%swap3A_194] {strides = array<i32>} : memref<4096xf32, #tpu.memory_space<vmem>>, vector<16xf32>,
        tpu.vector_store %arg8[%swap3A_194], %broadcast_in_dim3A_5 {strides = array<i32>} : memref<4096xf32, #tpu.memory_space<vmem>>, vector<16xf32>,
        %mul3A_196 = arith.constant 128 : i32
        %mul3A_197 = arith.muli %scan3A_99, %mul3A_196 : i32
        %add3A_198 = arith.constant 112 : i32
        %add3A_199 = arith.addi %mul3A_197, %add3A_198 : i32
        %get3A_200 = arith.index_cast %add3A_199 : i32 to index
        %get3A_201 = tpu.vector_load %arg8[%get3A_200] {strides = array<i32>} : memref<4096xf32, #tpu.memory_space<vmem>>, vector<16xf32>,
        %max3A_202 = arith.constant 0.000000e+00 : f32
        %max3A_203 = vector.broadcast %max3A_202 : f32 to vector<16xf32>
        %max3A_204 = arith.maximumf %get3A_201, %max3A_203 : vector<16xf32>
        %swap3A_205 = arith.index_cast %scan3A_99 : i32 to index
        %swap3A_206 = arith.constant 112 : index
        %swap3A_207 = tpu.vector_load %arg9[%swap3A_205, %swap3A_206] {strides = array<i32>} : memref<32x128xf32, #tpu.memory_space<vmem>>, vector<16xf32>,
        tpu.vector_store %arg9[%swap3A_205, %swap3A_206], %max3A_204 {strides = array<i32>} : memref<32x128xf32, #tpu.memory_space<vmem>>, vector<16xf32>,
        %swap3A_208 = arith.index_cast %add3A_199 : i32 to index
        %swap3A_209 = tpu.vector_load %arg8[%swap3A_208] {strides = array<i32>} : memref<4096xf32, #tpu.memory_space<vmem>>, vector<16xf32>,
        tpu.vector_store %arg8[%swap3A_208], %broadcast_in_dim3A_5 {strides = array<i32>} : memref<4096xf32, #tpu.memory_space<vmem>>, vector<16xf32>,
      }
      %scan3A_97 = arith.constant 32 : i32
      %add3A_98 = arith.addi %mul3A_2, %scan3A_39 : i32
      "tpu.region"() ({
        %run_scoped3A = tpu.sem_alloc : memref<!tpu.dma_semaphore, #tpu.memory_space<semaphore_mem>>
        %dma_start3A_99 = arith.constant 0 : i32
        %dma_start3A_100 = arith.constant 0 : i32
        %dma_start3A_101 = tpu.memref_slice %arg3[%add3A_98, %dma_start3A_99, %dma_start3A_100] : memref<1024x32x128xf32, #tpu.memory_space<hbm>> -> memref<1x32x128xf32, #tpu.memory_space<hbm>>
        %dma_start3A_102 = tpu.memref_squeeze %dma_start3A_101 : memref<1x32x128xf32, #tpu.memory_space<hbm>> -> memref<32x128xf32, #tpu.memory_space<hbm>>
        %dma_start3A_103 = arith.constant 0 : i32
        %dma_start3A_104 = arith.constant 0 : i32
        %dma_start3A_105 = tpu.memref_slice %arg3[%add3A_98, %dma_start3A_103, %dma_start3A_104] : memref<1024x32x128xf32, #tpu.memory_space<hbm>> -> memref<1x32x128xf32, #tpu.memory_space<hbm>>
        %dma_start3A_106 = tpu.memref_squeeze %dma_start3A_105 : memref<1x32x128xf32, #tpu.memory_space<hbm>> -> memref<32x128xf32, #tpu.memory_space<hbm>>
        tpu.enqueue_dma source(%arg9 : memref<32x128xf32, #tpu.memory_space<vmem>>) target(%dma_start3A_106 : memref<32x128xf32, #tpu.memory_space<hbm>>) target_semaphore(%run_scoped3A : memref<!tpu.dma_semaphore, #tpu.memory_space<semaphore_mem>>)
        %dma_wait3A_107 = arith.constant 0 : i32
        %dma_wait3A_108 = arith.constant 0 : i32
        %dma_wait3A_109 = tpu.memref_slice %arg3[%add3A_98, %dma_wait3A_107, %dma_wait3A_108] : memref<1024x32x128xf32, #tpu.memory_space<hbm>> -> memref<1x32x128xf32, #tpu.memory_space<hbm>>
        %dma_wait3A_110 = tpu.memref_squeeze %dma_wait3A_109 : memref<1x32x128xf32, #tpu.memory_space<hbm>> -> memref<32x128xf32, #tpu.memory_space<hbm>>
        %dma_wait3A_111 = arith.constant 0 : i32
        %dma_wait3A_112 = arith.constant 0 : i32
        %dma_wait3A_113 = tpu.memref_slice %arg3[%add3A_98, %dma_wait3A_111, %dma_wait3A_112] : memref<1024x32x128xf32, #tpu.memory_space<hbm>> -> memref<1x32x128xf32, #tpu.memory_space<hbm>>
        %dma_wait3A_114 = tpu.memref_squeeze %dma_wait3A_113 : memref<1x32x128xf32, #tpu.memory_space<hbm>> -> memref<32x128xf32, #tpu.memory_space<hbm>>
        tpu.wait_dma2 semaphore(%run_scoped3A : memref<!tpu.dma_semaphore, #tpu.memory_space<semaphore_mem>>) src(%arg9 : memref<32x128xf32, #tpu.memory_space<vmem>>) dst(%dma_wait3A_114 : memref<32x128xf32, #tpu.memory_space<hbm>>)
        tpu.yield
      }) : () -> ()
    }
    %scan3A_35 = arith.constant 32 : i32
    %mul3A_36 = arith.constant 96 : i32
    %mul3A_37 = arith.muli %mul3A_2, %mul3A_36 : i32
    %dma_wait3A = tpu.memref_slice %arg6[%mul3A_37] : memref<98304xf32, #tpu.memory_space<hbm>> -> memref<3072xf32, #tpu.memory_space<hbm>>
    %dma_wait3A_38 = tpu.memref_slice %arg6[%mul3A_37] : memref<98304xf32, #tpu.memory_space<hbm>> -> memref<3072xf32, #tpu.memory_space<hbm>>
    tpu.wait_dma2 semaphore(%arg11 : memref<!tpu.dma_semaphore, #tpu.memory_space<semaphore_mem>>) src(%arg7 : memref<3072xf32, #tpu.memory_space<vmem>>) dst(%dma_wait3A_38 : memref<3072xf32, #tpu.memory_space<hbm>>)
    return
  }
}

</mosaic_0001>

<sc_bundles>
// kernel: kernel.3.cloned.1.call-start
scs
__scs_entry_jumppad:
0x0: {  	(pc) =	sbr.rel $0x88, $3  }
0x1: {  	(tag) =	ssettag $0x0;
	lr =	simm.s32 $0x1  }
0x2: {  	[smem:$0x3FA0] =	sst lr;
	_ =	strace $0xD0000000  }
0x3: {  	_ = 	snop  }
0x4: {  	_ = 	snop  }
0x5: {  	_ = 	snop  }
0x6: {  	_ = 	snop  }
0x7: {  	_ = 	snop  }
__scs_overlays_trampoline_lowered:
0x8: {  	[smem:$0x3FAF] =	sst s0  }
0x9: {  	[smem:$0x3FB0] =	sst s1  }
0xa: {  	[smem:$0x3FB1] =	sst s2  }
0xb: {  	[smem:$0x3FB2] =	sst s3  }
0xc: {  	[smem:$0x3FB3] =	sst s4  }
0xd: {  	[smem:$0x3FB4] =	sst s5  }
0xe: {  	[smem:$0x3FB5] =	sst s6  }
0xf: {  	[smem:$0x3FB6] =	sst s7  }
0x10: {  	[smem:$0x3FB7] =	sst s8  }
0x11: {  	[smem:$0x3FB8] =	sst s9;
	s0 =	simm.s32 @!p0 $0x0  }
0x12: {  	s1 =	sld [smem:$0x3F9E];
	s0 =	simm.s32 @p0 $0x1  }
0x13: {  	[smem:$0x3FB9] =	sst s0;
	s0 =	simm.s32 @!p1 $0x0  }
0x14: {  	s2 =	sld [smem:$0x3F9D];
	s0 =	simm.s32 @p1 $0x1  }
0x15: {  	[smem:$0x3FBA] =	sst s0;
	s0 =	simm.s32 @!p2 $0x0  }
0x16: {  	s3 =	sld [smem:$0x3FDB];
	s0 =	simm.s32 @p2 $0x1  }
0x17: {  	s4 =	simm.s32 $0x1BF5;
	[smem:$0x3FBC] =	sst s0  }
0x18: {  	s0 =	sld [smem:$0x3F9F];
	_ =	swait.ge [sflag:s4], $0x0  }
0x19: {  	s7 =	sld [smem:$0x3FA0]  }
0x1a: {  	s8 =	sadd.s32 $0xFFFFE003, lr  }
0x1b: {  	s9 =	sadd.s32 $0xFFFFFEF7, lr;
	s5 =	simm.s32 $0xFFFFFFFF;
	p2 =	slt.u32 s8, $0xFFFFF086  }
0x1c: {  	p1 =	slt.u32 s9, $0xF7A;
	s5 =	simm.s32 @!p2 $0x0  }
0x1d: {  	s5 =	simm.s32 @p1 $0x1;
	p0 =	seq.s32 s7, s2  }
0x1e: {  	s7 =	smul.u32 @!p0 $0xF7A, s2;
	p2 =	seq.s32 @!p0 s5, $0x0  }
0x1f: {  	s9 =	smul.u32 $0xF7A, s1;
	s8 =	simm.s32 @!p0 $0x1BF5;
	p2 =	por !p2, p0  }
0x20: {  	[sflag:s8] =	ssyncset.s32 @!p0 $0xFFFFF086;
	s6 =	sadd.s32 @!p0 s3, s7;
	s7 =	simm.s32 @!p0 $0x108  }
0x21: {  	s3 =	sadd.s32 s3, s9;
	s6 =	sadd.s32 @!p0 $0x88, s6;
	s7 =	simm.s32 @p2 $0x1082  }
0x22: {  	[simem:s7], [sflag:s8] =	dma.local @!p0 [hbm:s6], $0xF7A  }
0x23: {  	s9 =	sor.u32 $0xD0000000, s2;
	s6 =	simm.s32 $0x108;
	_ =	swait.ge @!p0 [sflag:s8], $0x0  }
0x24: {  	s3 =	sadd.s32 $0x88, s3;
	s6 =	simm.s32 @!p1 $0x1082;
	[sflag:s4] =	ssyncset.s32 $0xFFFFF086  }
0x25: {  	[simem:s6], [sflag:s4] =	dma.local [hbm:s3], $0xF7A  }
0x26: {  	[smem:$0x3FA0] =	sst s1;
	(tag) =	ssettag s2;
	_ =	strace s9  }
0x27: {  	s1 =	sld [smem:$0x3FB0]  }
0x28: {  	s2 =	sld [smem:$0x3FB1]  }
0x29: {  	s4 =	sld [smem:$0x3FB3]  }
0x2a: {  	p0 =	seq.s32 s5, $0x0;
	s5 =	sld [smem:$0x3FB4]  }
0x2b: {  	s6 =	sld [smem:$0x3FB5]  }
0x2c: {  	s7 =	sld [smem:$0x3FB6]  }
0x2d: {  	s3 =	simm.s32 $0x108;
	s8 =	sld [smem:$0x3FB7]  }
0x2e: {  	s3 =	simm.s32 @!p0 $0x1082;
	s9 =	sld [smem:$0x3FB8]  }
0x2f: {  	lr =	sadd.s32 s0, s3;
	s0 =	sld [smem:$0x3FAF]  }
0x30: {  	s3 =	sld [smem:$0x3FB2]  }
0x31: {  	[smem:$0x3FBB] =	sst s10  }
0x32: {  	s10 =	sld [smem:$0x3FB9];
	_ =	sdelay $0x3  }
0x33: {  	p0 =	seq.s32 s10, $0x1;
	s10 =	sld [smem:$0x3FBB];
	_ =	sdelay $0x3  }
0x34: {  	[smem:$0x3FBB] =	sst s10  }
0x35: {  	s10 =	sld [smem:$0x3FBA];
	_ =	sdelay $0x3  }
0x36: {  	p1 =	seq.s32 s10, $0x1;
	s10 =	sld [smem:$0x3FBB];
	_ =	sdelay $0x3  }
0x37: {  	[smem:$0x3FBB] =	sst s10  }
0x38: {  	s10 =	sld [smem:$0x3FBC]  }
0x39: {  	_ = 	snop;
	(pc) =	sbr.ind lr, $3  }
0x3a: {  	_ = 	snop  }
0x3b: {  	_ = 	snop  }
0x3c: {  	p2 =	seq.s32 s10, $0x1;
	s10 =	sld [smem:$0x3FBB]  }
0x3d: {  	_ =	shalt  }
0x3e: {  	_ =	shalt  }
0x3f: {  	_ =	shalt  }
0x40: {  	_ =	shalt  }
0x41: {  	_ =	shalt  }
0x42: {  	_ =	shalt  }
0x43: {  	_ =	shalt  }
0x44: {  	_ =	shalt  }
0x45: {  	_ =	shalt  }
0x46: {  	_ =	shalt  }
0x47: {  	_ =	shalt  }
0x48: {  	_ =	shalt  }
0x49: {  	_ =	shalt  }
0x4a: {  	_ =	shalt  }
0x4b: {  	_ =	shalt  }
0x4c: {  	_ =	shalt  }
0x4d: {  	_ =	shalt  }
0x4e: {  	_ =	shalt  }
0x4f: {  	_ =	shalt  }
0x50: {  	_ =	shalt  }
0x51: {  	_ =	shalt  }
0x52: {  	_ =	shalt  }
0x53: {  	_ =	shalt  }
0x54: {  	_ =	shalt  }
0x55: {  	_ =	shalt  }
0x56: {  	_ =	shalt  }
0x57: {  	_ =	shalt  }
0x58: {  	_ =	shalt  }
0x59: {  	_ =	shalt  }
0x5a: {  	_ =	shalt  }
0x5b: {  	_ =	shalt  }
0x5c: {  	_ =	shalt  }
0x5d: {  	_ =	shalt  }
0x5e: {  	_ =	shalt  }
0x5f: {  	_ =	shalt  }
0x60: {  	_ =	shalt  }
0x61: {  	_ =	shalt  }
0x62: {  	_ =	shalt  }
0x63: {  	_ =	shalt  }
0x64: {  	_ =	shalt  }
0x65: {  	_ =	shalt  }
0x66: {  	_ =	shalt  }
0x67: {  	_ =	shalt  }
0x68: {  	_ =	shalt  }
0x69: {  	_ =	shalt  }
0x6a: {  	_ =	shalt  }
0x6b: {  	_ =	shalt  }
0x6c: {  	_ =	shalt  }
0x6d: {  	_ =	shalt  }
0x6e: {  	_ =	shalt  }
0x6f: {  	_ =	shalt  }
0x70: {  	_ =	shalt  }
0x71: {  	_ =	shalt  }
0x72: {  	_ =	shalt  }
0x73: {  	_ =	shalt  }
0x74: {  	_ =	shalt  }
0x75: {  	_ =	shalt  }
0x76: {  	_ =	shalt  }
0x77: {  	_ =	shalt  }
0x78: {  	_ =	shalt  }
0x79: {  	_ =	shalt  }
0x7a: {  	_ =	shalt  }
0x7b: {  	_ =	shalt  }
0x7c: {  	_ =	shalt  }
0x7d: {  	_ =	shalt  }
0x7e: {  	_ =	shalt  }
0x7f: {  	_ =	shalt  }
0x80: {  	_ =	shalt  }
0x81: {  	_ =	shalt  }
0x82: {  	_ =	shalt  }
0x83: {  	_ =	shalt  }
0x84: {  	_ =	shalt  }
0x85: {  	_ =	shalt  }
0x86: {  	_ =	shalt  }
0x87: {  	_ =	shalt  }
.Lfunc_end0:
.L_simem_size_0:
called_computation_lowered:
.L_overlay_start_0:
0x88: {  	s2 =	sld [smem:$0x3FD9]  }
0x89: {  	s3 =	sld [smem:$0x3FFE];
	_ =	sdelay $0x1  }
0x8a: {  	s1 =	srdreg.scid  }
0x8b: {  	s0 =	sand.u32 $0x1, s1  }
0x8c: {  	s14 =	sshll.u32 s0, $0xA;
	s2 =	sadd.s32 s3, s2  }
0x8d: {  	s2 =	sadd.s32 s2, s14  }
0x8e: {  	[smem:$0x3FC7] =	sst s2  }
0x8f: {  	_ = 	snop  }
0x90: {  	s2 =	sld [smem:$0x3FD0];
	_ =	sdelay $0x2  }
0x91: {  	s15 =	simm.s32 $0xA;
	s4 =	simm.s32 $0x10  }
0x92: {  	[smem:s4], [sflag:s15] =	dma.local [hbm:s2], $0x1  }
0x93: {  	_ =	swait.eq [sflag:s15], $0x1  }
0x94: {  	s16 =	sld [smem:$0x11];
	[sflag:s15] =	ssyncset.done $0x0  }
0x95: {  	s17 =	sld [smem:$0x12];
	[sflag:s15] =	ssyncadd.s32 $0xFFFFFFFF  }
0x96: {  	s18 =	sld [smem:$0x13];
	(tm) =	ssettm $0x1  }
0x97: {  	s5 =	sld [smem:$0x3FFB];
	_ =	sdelay $0x3  }
0x98: {  	_ =	strace s5  }
0x99: {  	s5 =	sld [smem:$0x3FFC];
	_ =	sdelay $0x3  }
0x9a: {  	_ =	strace s5  }
0x9b: {  	s5 =	sld [smem:$0x3FFD];
	_ =	sdelay $0x3  }
0x9c: {  	_ =	strace s5  }
0x9d: {  	_ =	strace $0x8FFFFFFF  }
0x9e: {  	s19 =	sld [smem:$0x3FDB];
	_ =	sdelay $0x1  }
0x9f: {  	s6 =	simm.s32 $_scs_section_size  }
0xa0: {  	s7 =	simm.s32 $_size__tile_overlayer_lowered;
	s8 =	simm.s32 $_tile_overlayer_lowered  }
0xa1: {  	s22 =	simm.s32 $0x1BFF;
	s21 =	sshll.u32 s8, $0x1;
	s5 =	sadd.s32 s6, s19  }
0xa2: {  	s9 =	simm.s32 $0x0;
	s20 =	sshll.u32 s7, $0x1;
	s7 =	sadd.s32 s21, s5  }
0xa3: {  	[timem:s9], [sflag:s22] =	dma.local [hbm:s7], s20  }
0xa4: {  	_ =	swait.ge [sflag:s22], s20  }
0xa5: {  	s6 =	ssub.s32 $0x0, s20;
	[sflag:s22] =	ssyncset.done $0x0  }
0xa6: {  	[sflag:s22] =	ssyncadd.s32 s6;
	_ =	sdelay $0x1  }
0xa7: {  	s23 =	simm.s32 $0x1B8B  }
0xa8: {  	_ =	swait.ge [sflag:s23], $0x1  }
0xa9: {  	[sflag:s23] =	ssyncset.done $0x0  }
0xaa: {  	s25 =	simm.s32 $0x1B8E;
	s24 =	sld [smem:$0x3FFE];
	[sflag:s23] =	ssyncadd.s32 $0xFFFFFFFF  }
0xab: {  	s26 =	simm.s32 $execute0_lowered;
	[smem:$0x3FD2] =	sst s25  }
0xac: {  	s7 =	sshll.u32 s26, $0x1;
	_ =	strace $0x80000046;
	[dreg:$0x1] =	wrdreg $0xFFFFFFFF  }
0xad: {  	s28 =	simm.s32 $_size_execute0_lowered;
	s5 =	sadd.s32 s5, s7;
	[dreg:$0x0] =	wrdreg $0x0  }
0xae: {  	s7 =	sshll.u32 s28, $0x1;
	[dreg:$0x2] =	wrdreg s5  }
0xaf: {  	[dreg:$0x3] =	wrdreg s7  }
0xb0: {  	[dreg:$0x4] =	wrdreg $0xC0  }
0xb1: {  	_ =	task [dreg:s9], $0x5FFFF  }
0xb2: {  	[dreg:$0x1] =	wrdreg $0xFFFFFFFF  }
0xb3: {  	[dreg:$0x0] =	wrdreg $0x60  }
0xb4: {  	[dreg:$0x2] =	wrdreg s18  }
0xb5: {  	[dreg:$0x3] =	wrdreg s24  }
0xb6: {  	[dreg:$0x4] =	wrdreg s16  }
0xb7: {  	[dreg:$0x5] =	wrdreg s17  }
0xb8: {  	[dreg:$0x6] =	wrdreg $0x9  }
0xb9: {  	_ =	task.clear_ibuf [dreg:s9], $0x7FFFF;
	_ =	strace $0x90000046  }
0xba: {  	s29 =	simm.s32 $0x9;
	_ =	strace $0x80000048  }
0xbb: {  	_ =	swait.ge [sflag:s29], $0x1  }
0xbc: {  	[sflag:s29] =	ssyncadd.s32 $0xFFFFFFFF  }
0xbd: {  	_ =	strace $0x90000048  }
0xbe: {  	_ =	sfence  }
0xbf: {  	s30 =	sld [smem:$0x0];
	_ =	sdelay $0x2  }
0xc0: {  	s31 =	sshll.u32 s1, $0xD;
	s1 =	sshrl.u32 s1, $0x2  }
0xc1: {  	s3 =	sand.u32 $0x4000, s31;
	s1 =	sadd.s32 s1, s30  }
0xc2: {  	s0 =	sor.u32 s3, s0;
	s1 =	sshll.u32 s1, $0x11  }
0xc3: {  	s0 =	sor.u32 s1, s0  }
0xc4: {  	s0 =	sadd.s32 $0x8F2B, s0  }
0xc5: {  	[sflag:s0] =	ssyncadd.remote.s32 $0x1  }
0xc6: {  	_ =	sfence.sel $0xFFFF  }
0xc7: {  	[dreg:$0x0] =	wrdreg $0xFFFFFFFF;
	(pc) =	sbr.abs _section_cstart, $3  }
0xc8: {  	[dreg:$0x1] =	wrdreg $0xFFFFFFFF  }
0xc9: {  	_ =	task.clear_ibuf [dreg:s9], $0x2FFFF;
	_ =	strace $0x9FFFFFFF  }
0xca: {  	(tm) =	ssettm $0x7FFFFFFF  }
0xcb: {  	_ =	shalt  }
tec
execute0_lowered:
.L_overlay_start_1:
0x0: {  	(tag) =	ssettag $0x1  }
0x1: {  	s5 =	rddreg [dreg:$0x0]  }
0x2: {  	s3 =	rddreg [dreg:$0x1]  }
0x3: {  	s4 =	rddreg [dreg:$0x2]  }
0x4: {  	s6 =	rddreg [dreg:$0x3]  }
0x5: {  	s0 =	rddreg [dreg:$0x4]  }
0x6: {  	s2 =	simm.s32 $0x0;
	s7 =	srdreg.scid;
	s1 =	stileid.u32  }
0x7: {  	s13 =	simm.s32 $0x1C00;
	s14 =	simm.s32 $0x1;
	s15 =	simm.s32 $0x0  }
0x8: {  	[smem:$0x7FF] =	sst s2;
	s7 =	sand.u32 $0x1, s7;
	s8 =	sshll.u32 s1, $0x1  }
0x9: {  	s21 =	simm.s32 $0x1;
	_ =	strace $0x80000047;
	s8 =	sor.u32 s7, s8  }
0xa: {  	s7 =	ssub.s32 $0x2, s7;
	s9 =	sshll.u32 s8, $0xE;
	s10 =	smul.u32 $0x180, s8  }
0xb: {  	v1 =	vlaneseq.u32;
	s11 =	sshrl.u32 s7, $0x1;
	s8 =	sshll.u32 s8, $0x2;
	s9 =	sadd.s32 s9, s3  }
0xc: {  	v0 =	vimm.f32 $7.959746090e+02;
	v1 =	vmul.u32 $0x6, v1;
	s11 =	ssub.s32 s7, s11;
	s12 =	sadd.s32 s10, s3;
	s3 =	sadd.s32 s4, s8  }
0xd: {  	v2 =	vimm.f32 $-7.479746090e+02;
	v3 =	vimm.f32 $3.000000120e-01;
	s4 =	sadd.s32 s6, s8;
	s5 =	sadd.s32 s5, s10;
	s7 =	sadd.s32 $0xA00, s9  }
0xe: {  	v9 =	vimm.f32 $-7.000000030e-02;
	v4 =	vor.u32 $0x1, v1;
	v5 =	vadd.s32 $0x2, v1;
	s8 =	smax.u32 s11, $0x1;
	s9 =	simm.s32 $0x2C00;
	s10 =	simm.s32 $0x2  }
0xf: {  	v6 =	vadd.s32 $0x3, v1;
	v7 =	vadd.s32 $0x4, v1;
	v8 =	vadd.s32 $0x5, v1;
	s11 =	simm.s32 $0x2C20;
	s6 =	sadd.s32 $0x80A00, s12;
	s12 =	simm.s32 $0xC00  }
.LBB2_1:
0x10: {  	[tilespmem:$0x2C00] =	vst v0  }
0x11: {  	[tilespmem:$0x2C10] =	vst v0  }
0x12: {  	[tilespmem:$0x2C20] =	vst v2  }
0x13: {  	[tilespmem:$0x2C30] =	vst v2  }
0x14: {  	[hbm4b:s3+s2] =	stream.linear.scatter [tilespmem:s9], [sflag:$0x2], $0x20, $0x38;
	[tilespmem:$0x2C80] =	vst v63  }
0x15: {  	_ =	swait.ge [sflag:s10], $0x20  }
0x16: {  	[sflag:s10] =	ssyncset.done $0x0  }
0x17: {  	[sflag:s10] =	ssyncadd.s32 $0xFFFFFFE0  }
0x18: {  	[hbm4b:s4+s2] =	stream.linear.scatter [tilespmem:s11], [sflag:$0x2], $0x20, $0x38;
	[tilespmem:$0x2C80] =	vst v63  }
0x19: {  	_ =	swait.ge [sflag:s10], $0x20  }
0x1a: {  	[sflag:s10] =	ssyncset.done $0x0  }
0x1b: {  	[sflag:s10] =	ssyncadd.s32 $0xFFFFFFE0  }
0x1c: {  	[tilespmem:s2], [sflag:$0x2] =	stream.linear.gather [hbm4b:s5+s2], $0xC00, $0x38;
	[tilespmem:$0x2C80] =	vst v63  }
0x1d: {  	_ =	swait.ge [sflag:s10], $0xC00  }
0x1e: {  	[sflag:s10] =	ssyncset.done $0x0  }
0x1f: {  	s16 =	simm.s32 $0x0;
	s17 =	simm.s32 $0x40;
	[sflag:s10] =	ssyncadd.s32 $0xFFFFF400  }
.LBB2_2:
0x20: {  	p0 =	sne.s32 s17, $0x2FC0;
	v10 =	vld [tilespmem:s16+$0x0];
	_ =	sdelay $0x4  }
0x21: {  	v11 =	vand.u32 $0x7FFFFFFF, v10  }
0x22: {  	v11 =	vsub.f32 $0.0e+00, v11;
	_ =	sdelay $0x1  }
0x23: {  	v11 =	vmul.f32 $1.442695020e+00, v11;
	_ =	sdelay $0x1  }
0x24: {  	(erf) = vpow2.f32 v11;
	_ =	sdelay $0x8  }
0x25: {  	v11 =	vpop (erf)  }
0x26: {  	v12 =	vadd.f32 $1.000000000e+00, v11;
	_ =	sdelay $0x1  }
0x27: {  	(erf) = vrcp.f32 v12;
	_ =	sdelay $0x8  }
.Ltmp0:
0x28: {  	v12 =	vpop (erf);
	(pc) =	sbr.rel @p0 .LBB2_2-.Ltmp0, $4  }
0x29: {  	v11 =	vmul.f32 v12, v11  }
0x2a: {  	vm0 =	vge.f32 v10, $0.0e+00  }
0x2b: {  	v10 =	vsel vm0, v12, v11  }
0x2c: {  	[tilespmem:s16+$0x0] =	vst v10;
	s16 =	sshra.s32 s17, $0x2;
	s17 =	sadd.s32 $0x40, s17  }
0x2d: {  	v10 =	vld [tilespmem:s16+$0x0];
	_ =	sdelay $0x4  }
0x2e: {  	v11 =	vand.u32 $0x7FFFFFFF, v10  }
0x2f: {  	v11 =	vsub.f32 $0.0e+00, v11;
	_ =	sdelay $0x1  }
0x30: {  	v11 =	vmul.f32 $1.442695020e+00, v11;
	_ =	sdelay $0x1  }
0x31: {  	(erf) = vpow2.f32 v11;
	_ =	sdelay $0x8  }
0x32: {  	v11 =	vpop (erf)  }
0x33: {  	v12 =	vadd.f32 $1.000000000e+00, v11;
	_ =	sdelay $0x1  }
0x34: {  	(erf) = vrcp.f32 v12;
	_ =	sdelay $0x8  }
0x35: {  	v12 =	vpop (erf)  }
0x36: {  	v11 =	vmul.f32 v12, v11  }
0x37: {  	vm0 =	vge.f32 v10, $0.0e+00  }
0x38: {  	v10 =	vsel vm0, v12, v11  }
0x39: {  	s17 =	simm.s32 $0x0;
	s18 =	simm.s32 $0x200;
	[tilespmem:s16+$0x0] =	vst v10;
	s16 =	simm.s32 $0x0  }
0x3a: {  	[hbm4b:s6+s16] =	stream.linear.scatter [tilespmem:s16], [sflag:$0x1], $0xC00, $0x38;
	[tilespmem:$0x2C80] =	vst v63  }
.LBB2_4:
0x3b: {  	p0 =	sne.s32 s18, $0x3E00;
	[tilespmem:s17+$0xC70] =	vst v3  }
0x3c: {  	[tilespmem:s17+$0xC00] =	vst v3  }
0x3d: {  	[tilespmem:s17+$0xC10] =	vst v3  }
.Ltmp1:
0x3e: {  	[tilespmem:s17+$0xC20] =	vst v3;
	(pc) =	sbr.rel @p0 .LBB2_4-.Ltmp1, $4  }
0x3f: {  	[tilespmem:s17+$0xC30] =	vst v3  }
0x40: {  	[tilespmem:s17+$0xC40] =	vst v3  }
0x41: {  	[tilespmem:s17+$0xC50] =	vst v3  }
0x42: {  	[tilespmem:s17+$0xC60] =	vst v3;
	s17 =	sshra.s32 s18, $0x2;
	s18 =	sadd.s32 $0x200, s18  }
0x43: {  	[tilespmem:s17+$0xC70] =	vst v3  }
0x44: {  	[tilespmem:s17+$0xC00] =	vst v3  }
0x45: {  	[tilespmem:s17+$0xC10] =	vst v3  }
0x46: {  	[tilespmem:s17+$0xC20] =	vst v3  }
0x47: {  	[tilespmem:s17+$0xC30] =	vst v3  }
0x48: {  	[tilespmem:s17+$0xC40] =	vst v3  }
0x49: {  	[tilespmem:s17+$0xC50] =	vst v3  }
0x4a: {  	[tilespmem:s17+$0xC60] =	vst v3  }
.LBB2_6:
0x4b: {  	s17 =	smul.u32 $0x60, s16;
	_ =	sdelay $0x1  }
0x4c: {  	v10 =	vadd.s32 s17, v1  }
0x4d: {  	v11 =	vadd.s32 s17, v4  }
0x4e: {  	v12 =	vadd.s32 s17, v6  }
0x4f: {  	s18 =	simm.s32 $0x0;
	v13 =	vadd.s32 s17, v8  }
0x50: {  	s19 =	scvt.s32.f32 s18  }
0x51: {  	v14 =	vld.idx.msk [tilespmem:v10+s18+$0x0], $0xffff;
	v10 =	vadd.s32 s17, v5  }
0x52: {  	v15 =	vadd.s32 s17, v7;
	s19 =	smul.f32 $2.040816280e-02, s19;
	v11 =	vld.idx.msk [tilespmem:v11+s18+$0x0], $0xffff  }
0x53: {  	v12 =	vld.idx.msk [tilespmem:v12+s18+$0x0], $0xffff  }
0x54: {  	s22 =	ssub.f32 $1.000000000e+00, s19;
	v13 =	vld.idx.msk [tilespmem:v13+s18+$0x0], $0xffff;
	_ =	sdelay $0x1  }
0x55: {  	s20 =	sadd.f32 s22, s22;
	v16 =	vld.idx.msk [tilespmem:v10+s18+$0x0], $0xffff  }
0x56: {  	s24 =	scvt.s32.f32 s21;
	s17 =	smul.f32 s22, s22;
	v15 =	vld.idx.msk [tilespmem:v15+s18+$0x0], $0xffff  }
0x57: {  	s23 =	smul.f32 s20, s19;
	v10 =	vmul.f32 $6.400000000e+01, v11;
	v11 =	vmul.f32 $6.400000000e+01, v12  }
0x58: {  	s20 =	smul.f32 $2.040816280e-02, s24;
	v13 =	vmul.f32 $6.400000000e+01, v13  }
0x59: {  	s19 =	smul.f32 s19, s19;
	v17 =	vmul.f32 s17, v10;
	v18 =	vmul.f32 s23, v11  }
0x5a: {  	s25 =	ssub.f32 $1.000000000e+00, s20;
	v12 =	vmul.f32 $6.400000000e+01, v14;
	v14 =	vmul.f32 $6.400000000e+01, v16  }
0x5b: {  	v15 =	vmul.f32 $6.400000000e+01, v15;
	v19 =	vmul.f32 s19, v13;
	v17 =	vadd.f32 v18, v17  }
0x5c: {  	s26 =	sadd.f32 s25, s25;
	v16 =	vmul.f32 s17, v12;
	v18 =	vmul.f32 s23, v14  }
0x5d: {  	s28 =	smul.f32 s20, s20;
	v17 =	vadd.f32 v17, v19  }
0x5e: {  	s18 =	smul.f32 s26, s20;
	v19 =	vmul.f32 s19, v15;
	v16 =	vadd.f32 v18, v16  }
0x5f: {  	s17 =	smul.f32 s25, s25;
	v17 =	vadd.f32 $8.388608000e+06, v17  }
0x60: {  	v22 =	vmul.f32 s28, v15;
	v16 =	vadd.f32 v16, v19  }
0x61: {  	v20 =	vmul.f32 s18, v14;
	v18 =	vmul.f32 s17, v12;
	v17 =	vadd.f32 $-8.388608000e+06, v17  }
0x62: {  	s29 =	simm.s32 $0x2;
	v21 =	vmul.f32 s18, v11;
	v19 =	vmul.f32 s17, v10;
	v16 =	vadd.f32 $8.388608000e+06, v16  }
0x63: {  	v23 =	vmul.f32 s28, v13;
	v18 =	vadd.f32 v20, v18;
	s17 =	scvt.s32.f32 s29;
	v17 =	vtrunc.f32 v17  }
0x64: {  	v19 =	vadd.f32 v21, v19;
	v17 =	vcvt.f32.s32 v17;
	v16 =	vadd.f32 $-8.388608000e+06, v16  }
0x65: {  	v18 =	vadd.f32 v18, v22;
	s17 =	smul.f32 $2.040816280e-02, s17  }
0x66: {  	v19 =	vadd.f32 v19, v23;
	v20 =	vadd.s32 $0xFFFFFFFF, v17;
	v16 =	vtrunc.f32 v16  }
0x67: {  	vm1 =	vlt.s32 v17, $0x3F;
	v21 =	vadd.s32 $0x1, v17;
	s30 =	ssub.f32 $1.000000000e+00, s17;
	v16 =	vcvt.f32.s32 v16  }
0x68: {  	v18 =	vadd.f32 $8.388608000e+06, v18;
	vm0 =	vgt.s32 v20, $0x0;
	v22 =	vnsel vm1, $0x3F, v17  }
0x69: {  	vm14 =	vlt.s32 v21, $0x3F;
	v20 =	vnsel vm0, $0x0, v20;
	s31 =	sadd.f32 s30, s30;
	s18 =	smul.f32 s30, s30;
	v17 =	vadd.s32 $0xFFFFFFFF, v16  }
0x6a: {  	v25 =	vnsel vm14, $0x3F, v21;
	v19 =	vadd.f32 $8.388608000e+06, v19;
	vm2 =	vgt.s32 v17, $0x0  }
0x6b: {  	s19 =	smul.f32 s31, s17;
	v29 =	vmul.f32 s18, v12;
	v30 =	vmul.f32 s18, v10;
	v17 =	vnsel vm2, $0x0, v17  }
0x6c: {  	s17 =	smul.f32 s17, s17;
	v19 =	vadd.f32 $-8.388608000e+06, v19;
	vm13 =	vlt.s32 v16, $0x3F;
	v17 =	vshll.u32 v17, $0x6  }
0x6d: {  	v23 =	vnsel vm13, $0x3F, v16;
	v31 =	vmul.f32 s19, v11;
	v24 =	vadd.s32 v20, v17  }
0x6e: {  	v32 =	vmul.f32 s17, v15;
	v33 =	vmul.f32 s17, v13;
	v27 =	vadd.s32 v22, v17  }
0x6f: {  	v21 =	vshll.u32 v23, $0x6;
	v23 =	vadd.s32 $0x1, v16;
	v28 =	vadd.s32 v25, v17  }
0x70: {  	vm15 =	vlt.s32 v23, $0x3F;
	v26 =	vadd.s32 v20, v21;
	v16 =	vadd.s32 v22, v21  }
0x71: {  	v17 =	vadd.s32 v25, v21;
	v21 =	vmul.f32 s19, v14;
	v23 =	vnsel vm15, $0x3F, v23  }
0x72: {  	v30 =	vadd.f32 v31, v30;
	v63 =	vshll.u32 v23, $0x6;
	v23 =	vtrunc.f32 v19;
	[tilespmem:v24+s12+$0x0] =	vst.idx.add.f32.msk $0xffff, v9  }
0x73: {  	v29 =	vadd.f32 v21, v29;
	v21 =	vadd.s32 v20, v63;
	v24 =	vadd.f32 $-8.388608000e+06, v18;
	[tilespmem:v27+s12+$0x0] =	vst.idx.add.f32.msk $0xffff, v9  }
0x74: {  	v23 =	vcvt.f32.s32 v23;
	v22 =	vadd.s32 v22, v63;
	v20 =	vadd.s32 v25, v63;
	[tilespmem:v28+s12+$0x0] =	vst.idx.add.f32.msk $0xffff, v9  }
0x75: {  	s17 =	simm.s32 $0x3;
	v19 =	vadd.f32 v29, v32;
	v18 =	vadd.f32 v30, v33;
	v24 =	vtrunc.f32 v24;
	[tilespmem:v26+s12+$0x0] =	vst.idx.add.f32.msk $0xffff, v9  }
.LBB2_7:
0x76: {  	s18 =	scvt.s32.f32 s17;
	p0 =	sne.s32 s17, $0x31;
	s17 =	sadd.s32 $0x1, s17;
	v25 =	vadd.s32 $0xFFFFFFFF, v23;
	v26 =	vadd.s32 $0x1, v23;
	[tilespmem:v16+s12+$0x0] =	vst.idx.add.f32.msk $0xffff, v9  }
0x77: {  	v16 =	vcvt.f32.s32 v24;
	vm1 =	vlt.s32 v23, $0x3F;
	vm0 =	vgt.s32 v25, $0x0;
	[tilespmem:v17+s12+$0x0] =	vst.idx.add.f32.msk $0xffff, v9  }
0x78: {  	s18 =	smul.f32 $2.040816280e-02, s18;
	v24 =	vnsel vm0, $0x0, v25;
	v25 =	vnsel vm1, $0x3F, v23;
	[tilespmem:v21+s12+$0x0] =	vst.idx.add.f32.msk $0xffff, v9  }
0x79: {  	v17 =	vadd.s32 $0xFFFFFFFF, v16;
	vm0 =	vlt.s32 v16, $0x3F;
	vm1 =	vlt.s32 v26, $0x3F  }
0x7a: {  	vm2 =	vgt.s32 v17, $0x0;
	v21 =	vnsel vm0, $0x3F, v16;
	v26 =	vnsel vm1, $0x3F, v26;
	s19 =	ssub.f32 $1.000000000e+00, s18;
	[tilespmem:v22+s12+$0x0] =	vst.idx.add.f32.msk $0xffff, v9  }
0x7b: {  	v17 =	vnsel vm2, $0x0, v17;
	v21 =	vshll.u32 v21, $0x6;
	v22 =	vadd.s32 $0x1, v16;
	[tilespmem:v20+s12+$0x0] =	vst.idx.add.f32.msk $0xffff, v9  }
0x7c: {  	v17 =	vshll.u32 v17, $0x6;
	vm0 =	vlt.s32 v22, $0x3F;
	v20 =	vadd.s32 v24, v21;
	s20 =	sadd.f32 s19, s19  }
0x7d: {  	v16 =	vadd.s32 v25, v21;
	s19 =	smul.f32 s19, s19;
	v23 =	vadd.s32 v24, v17;
	v27 =	vadd.s32 v25, v17  }
0x7e: {  	v19 =	vadd.f32 $8.388608000e+06, v19;
	v18 =	vadd.f32 $8.388608000e+06, v18;
	v28 =	vadd.s32 v26, v17;
	s20 =	smul.f32 s20, s18  }
0x7f: {  	v17 =	vadd.s32 v26, v21;
	s18 =	smul.f32 s18, s18;
	v29 =	vmul.f32 s19, v12;
	v30 =	vmul.f32 s19, v10  }
0x80: {  	v22 =	vnsel vm0, $0x3F, v22;
	v21 =	vmul.f32 s20, v14;
	v31 =	vmul.f32 s20, v11  }
.Ltmp2:
0x81: {  	v18 =	vadd.f32 $-8.388608000e+06, v18;
	v32 =	vmul.f32 s18, v15;
	v33 =	vmul.f32 s18, v13;
	(pc) =	sbr.rel @p0 .LBB2_7-.Ltmp2, $4  }
0x82: {  	v29 =	vadd.f32 v21, v29;
	v30 =	vadd.f32 v31, v30;
	v31 =	vshll.u32 v22, $0x6;
	[tilespmem:v23+s12+$0x0] =	vst.idx.add.f32.msk $0xffff, v9  }
0x83: {  	v22 =	vadd.f32 $-8.388608000e+06, v19;
	v23 =	vtrunc.f32 v18;
	[tilespmem:v27+s12+$0x0] =	vst.idx.add.f32.msk $0xffff, v9;
	v21 =	vadd.s32 v24, v31  }
0x84: {  	v23 =	vcvt.f32.s32 v23;
	v19 =	vadd.f32 v29, v32;
	v18 =	vadd.f32 v30, v33;
	[tilespmem:v28+s12+$0x0] =	vst.idx.add.f32.msk $0xffff, v9  }
0x85: {  	v24 =	vtrunc.f32 v22;
	v22 =	vadd.s32 v25, v31;
	[tilespmem:v20+s12+$0x0] =	vst.idx.add.f32.msk $0xffff, v9;
	v20 =	vadd.s32 v26, v31  }
0x86: {  	v10 =	vadd.s32 $0xFFFFFFFF, v23;
	v11 =	vcvt.f32.s32 v24  }
0x87: {  	v12 =	vadd.s32 $0x1, v23;
	vm1 =	vlt.s32 v23, $0x3F;
	v19 =	vadd.f32 $8.388608000e+06, v19  }
0x88: {  	v18 =	vadd.f32 $8.388608000e+06, v18;
	vm0 =	vgt.s32 v10, $0x0;
	v13 =	vnsel vm1, $0x3F, v23  }
0x89: {  	vm8 =	vlt.s32 v12, $0x3F;
	v10 =	vnsel vm0, $0x0, v10;
	v14 =	vadd.s32 $0xFFFFFFFF, v11  }
0x8a: {  	vm7 =	vlt.s32 v11, $0x3F;
	v12 =	vnsel vm8, $0x3F, v12;
	vm2 =	vgt.s32 v14, $0x0  }
0x8b: {  	v19 =	vadd.f32 $-8.388608000e+06, v19;
	v18 =	vadd.f32 $-8.388608000e+06, v18;
	v14 =	vnsel vm2, $0x0, v14  }
0x8c: {  	v15 =	vnsel vm7, $0x3F, v11;
	v11 =	vadd.s32 $0x1, v11;
	v14 =	vshll.u32 v14, $0x6  }
0x8d: {  	[tilespmem:v16+s12+$0x0] =	vst.idx.add.f32.msk $0xffff, v9;
	v15 =	vshll.u32 v15, $0x6;
	vm9 =	vlt.s32 v11, $0x3F;
	v49 =	vadd.s32 v10, v14  }
0x8e: {  	[tilespmem:v17+s12+$0x0] =	vst.idx.add.f32.msk $0xffff, v9;
	v19 =	vtrunc.f32 v19;
	v18 =	vtrunc.f32 v18;
	v50 =	vadd.s32 v13, v14  }
0x8f: {  	[tilespmem:v21+s12+$0x0] =	vst.idx.add.f32.msk $0xffff, v9;
	v48 =	vadd.s32 v10, v15;
	v11 =	vnsel vm9, $0x3F, v11;
	v14 =	vadd.s32 v12, v14  }
0x90: {  	[tilespmem:v22+s12+$0x0] =	vst.idx.add.f32.msk $0xffff, v9;
	v51 =	vadd.s32 v13, v15;
	v19 =	vcvt.f32.s32 v19;
	v11 =	vshll.u32 v11, $0x6  }
0x91: {  	[tilespmem:v20+s12+$0x0] =	vst.idx.add.f32.msk $0xffff, v9;
	v15 =	vadd.s32 v12, v15;
	v18 =	vcvt.f32.s32 v18;
	v10 =	vadd.s32 v10, v11  }
0x92: {  	v13 =	vadd.s32 v13, v11;
	v11 =	vadd.s32 v12, v11;
	v52 =	vadd.s32 $0xFFFFFFFF, v19;
	[tilespmem:v49+s12+$0x0] =	vst.idx.add.f32.msk $0xffff, v9  }
0x93: {  	v53 =	vadd.s32 $0xFFFFFFFF, v18;
	v54 =	vadd.s32 $0x1, v18;
	vm10 =	vgt.s32 v52, $0x0;
	[tilespmem:v50+s12+$0x0] =	vst.idx.add.f32.msk $0xffff, v9  }
0x94: {  	vm12 =	vlt.s32 v18, $0x3F;
	vm11 =	vgt.s32 v53, $0x0;
	v12 =	vnsel vm10, $0x0, v52;
	[tilespmem:v14+s12+$0x0] =	vst.idx.add.f32.msk $0xffff, v9  }
0x95: {  	vm13 =	vlt.s32 v19, $0x3F;
	v55 =	vnsel vm11, $0x0, v53;
	v12 =	vshll.u32 v12, $0x6;
	[tilespmem:v48+s12+$0x0] =	vst.idx.add.f32.msk $0xffff, v9  }
0x96: {  	v56 =	vnsel vm12, $0x3F, v18;
	vm14 =	vlt.s32 v54, $0x3F;
	v17 =	vadd.s32 v55, v12;
	[tilespmem:v51+s12+$0x0] =	vst.idx.add.f32.msk $0xffff, v9  }
0x97: {  	v57 =	vnsel vm13, $0x3F, v19;
	v58 =	vnsel vm14, $0x3F, v54;
	v59 =	vadd.s32 v56, v12;
	[tilespmem:v15+s12+$0x0] =	vst.idx.add.f32.msk $0xffff, v9  }
0x98: {  	v60 =	vadd.s32 $0x1, v19;
	v12 =	vadd.s32 v58, v12;
	[tilespmem:v10+s12+$0x0] =	vst.idx.add.f32.msk $0xffff, v9;
	v10 =	vshll.u32 v57, $0x6  }
0x99: {  	vm15 =	vlt.s32 v60, $0x3F;
	[tilespmem:v13+s12+$0x0] =	vst.idx.add.f32.msk $0xffff, v9;
	v61 =	vadd.s32 v55, v10  }
0x9a: {  	v15 =	vnsel vm15, $0x3F, v60;
	[tilespmem:v11+s12+$0x0] =	vst.idx.add.f32.msk $0xffff, v9;
	v11 =	vadd.s32 v56, v10  }
0x9b: {  	v15 =	vshll.u32 v15, $0x6;
	v10 =	vadd.s32 v58, v10;
	[tilespmem:v17+s12+$0x0] =	vst.idx.add.f32.msk $0xffff, v9  }
0x9c: {  	v14 =	vadd.s32 v55, v15;
	[tilespmem:v59+s12+$0x0] =	vst.idx.add.f32.msk $0xffff, v9  }
0x9d: {  	v62 =	vadd.s32 v56, v15;
	[tilespmem:v12+s12+$0x0] =	vst.idx.add.f32.msk $0xffff, v9  }
0x9e: {  	v63 =	vadd.s32 v58, v15;
	[tilespmem:v61+s12+$0x0] =	vst.idx.add.f32.msk $0xffff, v9  }
0x9f: {  	[tilespmem:v11+s12+$0x0] =	vst.idx.add.f32.msk $0xffff, v9  }
0xa0: {  	[tilespmem:v10+s12+$0x0] =	vst.idx.add.f32.msk $0xffff, v9  }
0xa1: {  	[tilespmem:v14+s12+$0x0] =	vst.idx.add.f32.msk $0xffff, v9  }
0xa2: {  	[tilespmem:v62+s12+$0x0] =	vst.idx.add.f32.msk $0xffff, v9  }
0xa3: {  	s17 =	simm.s32 $0x0;
	[tilespmem:v63+s12+$0x0] =	vst.idx.add.f32.msk $0xffff, v9  }
0xa4: {  	s18 =	simm.s32 $0x200;
	v10 =	vld [tilespmem:s17+$0xC00];
	[tilespmem:s17+$0xC00] =	vst v3  }
.LBB2_9:
0xa5: {  	p0 =	sne.s32 s18, $0x3E00;
	v11 =	vld [tilespmem:s17+$0xC10];
	[tilespmem:s17+$0xC10] =	vst v3  }
0xa6: {  	v12 =	vld [tilespmem:s17+$0xC20];
	[tilespmem:s17+$0xC20] =	vst v3  }
0xa7: {  	v13 =	vld [tilespmem:s17+$0xC30];
	[tilespmem:s17+$0xC30] =	vst v3  }
0xa8: {  	v14 =	vld [tilespmem:s17+$0xC40];
	[tilespmem:s17+$0xC40] =	vst v3  }
0xa9: {  	v10 =	vmax.f32 v10, $0.0e+00;
	v15 =	vld [tilespmem:s17+$0xC50];
	[tilespmem:s17+$0xC50] =	vst v3  }
0xaa: {  	v11 =	vmax.f32 v11, $0.0e+00;
	v16 =	vld [tilespmem:s17+$0xC60];
	[tilespmem:s17+$0xC60] =	vst v3  }
0xab: {  	v12 =	vmax.f32 v12, $0.0e+00;
	v17 =	vld [tilespmem:s17+$0xC70];
	[tilespmem:s17+$0xC70] =	vst v3  }
0xac: {  	[tilespmem:s17+$0x1C00] =	vst v10;
	v10 =	vmax.f32 v13, $0.0e+00  }
0xad: {  	[tilespmem:s17+$0x1C10] =	vst v11;
	v11 =	vmax.f32 v14, $0.0e+00  }
0xae: {  	[tilespmem:s17+$0x1C20] =	vst v12;
	v12 =	vmax.f32 v15, $0.0e+00  }
0xaf: {  	[tilespmem:s17+$0x1C30] =	vst v10;
	v10 =	vmax.f32 v16, $0.0e+00  }
.Ltmp3:
0xb0: {  	[tilespmem:s17+$0x1C40] =	vst v11;
	v11 =	vmax.f32 v17, $0.0e+00;
	(pc) =	sbr.rel @p0 .LBB2_9-.Ltmp3, $4  }
0xb1: {  	[tilespmem:s17+$0x1C50] =	vst v12  }
0xb2: {  	[tilespmem:s17+$0x1C60] =	vst v10  }
0xb3: {  	[tilespmem:s17+$0x1C70] =	vst v11;
	s17 =	sshra.s32 s18, $0x2  }
0xb4: {  	s18 =	sadd.s32 $0x200, s18;
	v10 =	vld [tilespmem:s17+$0xC00];
	[tilespmem:s17+$0xC00] =	vst v3  }
0xb5: {  	v11 =	vld [tilespmem:s17+$0xC10];
	[tilespmem:s17+$0xC10] =	vst v3  }
0xb6: {  	v12 =	vld [tilespmem:s17+$0xC20];
	[tilespmem:s17+$0xC20] =	vst v3  }
0xb7: {  	v13 =	vld [tilespmem:s17+$0xC30];
	[tilespmem:s17+$0xC30] =	vst v3  }
0xb8: {  	v14 =	vld [tilespmem:s17+$0xC40];
	[tilespmem:s17+$0xC40] =	vst v3  }
0xb9: {  	v15 =	vld [tilespmem:s17+$0xC50];
	[tilespmem:s17+$0xC50] =	vst v3  }
0xba: {  	v16 =	vld [tilespmem:s17+$0xC60];
	[tilespmem:s17+$0xC60] =	vst v3  }
0xbb: {  	v17 =	vld [tilespmem:s17+$0xC70];
	[tilespmem:s17+$0xC70] =	vst v3;
	v10 =	vmax.f32 v10, $0.0e+00  }
0xbc: {  	v11 =	vmax.f32 v11, $0.0e+00;
	[tilespmem:s17+$0x1C00] =	vst v10  }
0xbd: {  	v10 =	vmax.f32 v12, $0.0e+00;
	[tilespmem:s17+$0x1C10] =	vst v11  }
0xbe: {  	v11 =	vmax.f32 v13, $0.0e+00;
	[tilespmem:s17+$0x1C20] =	vst v10  }
0xbf: {  	v10 =	vmax.f32 v14, $0.0e+00;
	[tilespmem:s17+$0x1C30] =	vst v11  }
0xc0: {  	v11 =	vmax.f32 v15, $0.0e+00;
	[tilespmem:s17+$0x1C40] =	vst v10  }
0xc1: {  	s18 =	sshll.u32 s16, $0x9;
	s16 =	sadd.s32 $0x1, s16;
	v10 =	vmax.f32 v16, $0.0e+00;
	[tilespmem:s17+$0x1C50] =	vst v11  }
0xc2: {  	p0 =	sne.s32 s16, $0x20;
	v11 =	vmax.f32 v17, $0.0e+00;
	[tilespmem:s17+$0x1C60] =	vst v10  }
.Ltmp4:
0xc3: {  	s31 =	sadd.s32 s18, s7;
	[tilespmem:s17+$0x1C70] =	vst v11;
	(pc) =	sbr.rel @p0 .LBB2_6-.Ltmp4, $4  }
0xc4: {  	[hbm4b:s31+s2] =	stream.linear.scatter [tilespmem:s13], [sflag:$0x2], $0x1000, $0x38;
	[tilespmem:$0x2C80] =	vst v63  }
0xc5: {  	_ =	swait.ge [sflag:s10], $0x1000  }
0xc6: {  	[sflag:s10] =	ssyncset.done $0x0  }
0xc7: {  	[sflag:s10] =	ssyncadd.s32 $0xFFFFF000  }
0xc8: {  	s15 =	sadd.s32 $0x1, s15  }
0xc9: {  	p0 =	sne.s32 s15, s8  }
.Ltmp5:
0xca: {  	_ = 	snop;
	(pc) =	sbr.rel @p0 .LBB2_1-.Ltmp5, $4  }
0xcb: {  	_ = 	snop  }
0xcc: {  	_ =	swait.ge [sflag:s14], $0xC00  }
0xcd: {  	[sflag:s14] =	ssyncset.done $0x0  }
0xce: {  	[sflag:s14] =	ssyncadd.s32 $0xFFFFF400  }
0xcf: {  	_ =	sfence.sel $0x180000  }
0xd0: {  	[bflag:$0x0] =	sbarrier.arrive $0xFFFF  }
0xd1: {  	p0 =	sne.s32 s1, $0x0;
	_ =	strace $0x90000047  }
0xd2: {  	s0 =	sadd.s32 @!p0 $0x100000, s0;
	[bflag:$0x2] =	sbarrier.arrive $0xFFFF  }
0xd3: {  	[sflag:s0] =	ssyncadd.tile.s32 @!p0 $0x1;
	_ =	shalt  }
.Lfunc_end2:
_tile_overlayer_lowered:
.L_overlay_start_2:
0xd4: {  	(tag) =	ssettag $0x2  }
0xd5: {  	s0 =	rddreg [dreg:$0x0];
	s2 =	stileid.u32  }
0xd6: {  	s1 =	rddreg [dreg:$0x1];
	p0 =	sne.s32 s2, $0x0  }
0xd7: {  	s3 =	rddreg [dreg:$0x2];
	[bflag:$0x3] =	sbarrier.arrive $0xFFFF;
	s2 =	simm.s32 @!p0 $0x1C02  }
0xd8: {  	[timem:s3], [sflag:s2] =	dma.local @!p0 [hbm:s0], s1  }
0xd9: {  	s0 =	simm.s32 @!p0 $0x2  }
0xda: {  	_ =	swait.ge @!p0 [sflag:s0], s1  }
0xdb: {  	s1 =	ssub.s32 @!p0 $0x0, s1;
	[sflag:s0] =	ssyncset.done @!p0 $0x0  }
0xdc: {  	[sflag:s0] =	ssyncadd.s32 @!p0 s1  }
0xdd: {  	[bflag:$0x3] =	sbarrier.arrive $0xFFFF  }
0xde: {  	_ =	shalt  }

</sc_bundles>
